<compile_context>
chip_gen: v7x
topology: tpu7x:2x2x1
jax: 0.10.2.dev20260603
libtpu: 0.0.44.dev20260713+nightly
codegen_flags: <defaults>
</compile_context>

<pallas_src>
import functools

import jax
import jax.numpy as jnp
from jax.experimental import pallas as pl
from jax.experimental.pallas import tpu as pltpu
from jax.experimental.pallas import tpu_sc as plsc

VOCAB = 100000
EMB_DIM = 16
B, H, W = 256, 64, 64
HW = H * W
N = B * HW
WINDOW = 128
PACK = 128 // EMB_DIM
NP = N // PACK
WP = WINDOW // PACK
BPG = 8


def _sc_gather(emb0, emb1, idx2):
    nc = idx2.shape[1]
    mesh = plsc.VectorSubcoreMesh(core_axis_name="c", subcore_axis_name="s")
    out_t = (jax.ShapeDtypeStruct((nc, EMB_DIM), jnp.float32),
             jax.ShapeDtypeStruct((nc, EMB_DIM), jnp.float32))

    @functools.partial(
        pl.kernel, out_type=out_t, mesh=mesh,
        scratch_types=[pltpu.SemaphoreType.DMA, pltpu.SemaphoreType.DMA],
        compiler_params=pltpu.CompilerParams(use_tc_tiling_on_sc=False))
    def k(emb0_hbm, emb1_hbm, idx_hbm, g0_hbm, g1_hbm, sem0, sem1):
        def body(i_vmem, o0_vmem, o1_vmem):
            c0 = pltpu.async_copy(emb0_hbm.at[i_vmem.at[0]], o0_vmem, sem0)
            c1 = pltpu.async_copy(emb1_hbm.at[i_vmem.at[1]], o1_vmem, sem1)
            c0.wait()
            c1.wait()

        pltpu.emit_pipeline(
            body,
            grid=(nc // WINDOW,),
            in_specs=[pl.BlockSpec((2, WINDOW), lambda i: (0, i))],
            out_specs=[pl.BlockSpec((WINDOW, EMB_DIM), lambda i: (i, 0)),
                       pl.BlockSpec((WINDOW, EMB_DIM), lambda i: (i, 0))],
            core_axis_name=("c", "s"),
            dimension_semantics=(pltpu.PARALLEL,),
        )(idx_hbm, g0_hbm, g1_hbm)

    return k(emb0, emb1, idx2)


def _tc_assemble(g0, g1, o23):
    def tc_body(g0_ref, g1_ref, o23_ref, out_ref):
        t0 = g0_ref[...].T
        t1 = g1_ref[...].T
        for sb in range(BPG):
            for o in range(PACK):
                cols = slice(sb * 512, (sb + 1) * 512)
                out_ref[sb, 0:EMB_DIM, o * 512:(o + 1) * 512] = (
                    t0[o * EMB_DIM:(o + 1) * EMB_DIM, cols])
                out_ref[sb, EMB_DIM:2 * EMB_DIM, o * 512:(o + 1) * 512] = (
                    t1[o * EMB_DIM:(o + 1) * EMB_DIM, cols])
            out_ref[sb, 2 * EMB_DIM, :] = (
                o23_ref[0, sb, 0, :].astype(jnp.float32)
                * (1.0 / (VOCAB - 1.0)))
            out_ref[sb, 2 * EMB_DIM + 1, :] = (
                (o23_ref[1, sb, 0, :] & 1).astype(jnp.float32))

    bc = o23.shape[1]
    return pl.pallas_call(
        tc_body,
        grid=(bc // BPG,),
        in_specs=[pl.BlockSpec((BPG * HW // PACK, 128), lambda b: (b, 0)),
                  pl.BlockSpec((BPG * HW // PACK, 128), lambda b: (b, 0)),
                  pl.BlockSpec((2, BPG, 1, HW), lambda b: (0, b, 0, 0))],
        out_specs=pl.BlockSpec((BPG, 2 * EMB_DIM + 2, HW),
                               lambda b: (b, 0, 0)),
        out_shape=jax.ShapeDtypeStruct((bc, 2 * EMB_DIM + 2, HW), jnp.float32),
    )(g0, g1, o23)


def kernel(O, emb_cat0, emb_cat1):
    O4 = O.reshape(B, PACK, HW // PACK, 4)
    idx2 = jnp.transpose(O4[..., 0:2], (3, 0, 2, 1)).reshape(2, N)
    o23 = jnp.transpose(O.reshape(B, HW, 4)[..., 2:4],
                        (2, 0, 1)).reshape(2, B, 1, HW)

    g0, g1 = _sc_gather(emb_cat0, emb_cat1, idx2)
    out = _tc_assemble(g0.reshape(NP, 128), g1.reshape(NP, 128), o23)
    return out.reshape(B, 2 * EMB_DIM + 2, H, W)

# --- scband reference (transcript-rebuilt; emitter-appended) ---
"""Pipeline reference for scband-multi-conv-input-63488206569969 (READ-ONLY COPY).

The authoritative reference and input builder live on the scoring server;
editing this copy changes nothing except your own understanding.
"""

import jax, jax.numpy as jnp
import numpy as np

VOCAB = 100000
EMB_DIM = 16
B, H, W = 256, 64, 64


def setup_inputs(seed: int = 0) -> dict:
    key = jax.random.key(seed)
    k1, k2, k3 = jax.random.split(key, 3)
    # Stacked observation tensor (batch, H, W, C); categorical channels hold integer ids,
    # numeric channel holds raw counts to be normalized, binary channel reduced mod 2.
    O = jax.random.randint(k1, (B, H, W, 4), 0, VOCAB, dtype=jnp.int32)
    emb_cat0 = jax.random.normal(k2, (VOCAB, EMB_DIM), dtype=jnp.float32) * 0.02
    emb_cat1 = jax.random.normal(k3, (VOCAB, EMB_DIM), dtype=jnp.float32) * 0.02
    return {"O": O, "emb_cat0": emb_cat0, "emb_cat1": emb_cat1}


def reference(O, emb_cat0, emb_cat1):
    # Channel 0: CATEGORICAL -> embedding lookup (gather)
    idx0 = O[..., 0].astype(jnp.int32)
    a0 = jnp.take(emb_cat0, idx0, axis=0)            # (B, H, W, EMB_DIM)
    # Channel 1: CATEGORICAL -> embedding lookup (gather)
    idx1 = O[..., 1].astype(jnp.int32)
    a1 = jnp.take(emb_cat1, idx1, axis=0)            # (B, H, W, EMB_DIM)
    # Channel 2: NUMERIC -> rescale to 0-1 range (channel_spec.norm)
    num = (O[..., 2].astype(jnp.float32) / (VOCAB - 1.0))[..., None]  # (B, H, W, 1)
    # Channel 3: BINARY -> float 0/1
    binc = (O[..., 3] % 2).astype(jnp.float32)[..., None]             # (B, H, W, 1)
    # Concatenate along channel dim then permute to (batch, C, H, W)
    out = jnp.concatenate([a0, a1, num, binc], axis=3)
    out = jnp.transpose(out, (0, 3, 1, 2))
    return out

if __name__ == "__main__":
    import jax
    _d = setup_inputs()
    print(jax.jit(kernel)(*tuple(_d.values())))

</pallas_src>

<mosaic_0001>
#map = affine_map<(d0, d1) -> (0, 0)>
module attributes {stable_mosaic.version = 14 : i64} {
  func.func @k(%arg0: i32, %arg1: i32, %arg2: memref<100000x16xf32, #tpu.memory_space<hbm>>, %arg3: memref<100000x16xf32, #tpu.memory_space<hbm>>, %arg4: memref<2x1048576xi32, #tpu.memory_space<hbm>>, %arg5: memref<1048576x16xf32, #tpu.memory_space<hbm>>, %arg6: memref<1048576x16xf32, #tpu.memory_space<hbm>>, %arg7: memref<!tpu.dma_semaphore, #tpu.memory_space<semaphore_mem>>, %arg8: memref<!tpu.dma_semaphore, #tpu.memory_space<semaphore_mem>>) attributes {dimension_semantics = [#tpu.dimension_semantics<core_parallel>, #tpu.dimension_semantics<subcore_parallel>], iteration_bounds = array<i64: 2, 16>, scalar_prefetch = 0 : i64, scratch_operands = 2 : i64, tpu.core_type = #tpu.core_type<sc_vector_subcore>, window_params = [{transform_indices = #map}, {transform_indices = #map}, {transform_indices = #map}, {transform_indices = #map}, {transform_indices = #map}]} {
    %mul3A = arith.constant 1 : i32
    %mul3A_0 = arith.muli %arg1, %mul3A : i32
    %add3A = arith.constant 0 : i32
    %add3A_1 = arith.addi %add3A, %mul3A_0 : i32
    %mul3A_2 = arith.constant 16 : i32
    %mul3A_3 = arith.muli %arg0, %mul3A_2 : i32
    %add3A_4 = arith.addi %add3A_1, %mul3A_3 : i32
    %mul3A_5 = arith.constant 256 : i32
    %mul3A_6 = arith.muli %add3A_4, %mul3A_5 : i32
    "tpu.region"() ({
      %run_scoped3A = memref.alloca() : memref<2x2x128xi32, #tpu.memory_space<vmem>>
      %run_scoped3A_7 = tpu.sem_alloc : memref<2x!tpu.dma_semaphore, #tpu.memory_space<semaphore_mem>>
      %run_scoped3A_8 = memref.alloca() : memref<2x128x16xf32, #tpu.memory_space<vmem>>
      %run_scoped3A_9 = tpu.sem_alloc : memref<2x!tpu.dma_semaphore, #tpu.memory_space<semaphore_mem>>
      %run_scoped3A_10 = memref.alloca() : memref<2x128x16xf32, #tpu.memory_space<vmem>>
      %run_scoped3A_11 = tpu.sem_alloc : memref<2x!tpu.dma_semaphore, #tpu.memory_space<semaphore_mem>>
      %add3A_12 = arith.constant 0 : i32
      %add3A_13 = arith.addi %add3A_12, %mul3A_6 : i32
      %select_n3A = arith.constant true
      %select_n3A_14 = arith.constant 0 : i32
      %select_n3A_15 = arith.constant -1 : i32
      %select_n3A_16 = arith.select %select_n3A, %select_n3A_15, %select_n3A_14 : i32
      %eq3A = arith.constant -1 : i32
      %eq3A_17 = arith.cmpi eq, %select_n3A_16, %eq3A : i32
      %select_n3A_18 = arith.constant 255 : i32
      %select_n3A_19 = arith.select %eq3A_17, %select_n3A_18, %select_n3A_16 : i32
      %add3A_20 = arith.addi %select_n3A_19, %mul3A_6 : i32
      %select_n3A_21 = arith.constant true
      %select_n3A_22 = arith.constant 0 : i32
      %select_n3A_23 = arith.constant 1 : i32
      %select_n3A_24 = arith.select %select_n3A_21, %select_n3A_23, %select_n3A_22 : i32
      %eq3A_25 = arith.constant 256 : i32
      %eq3A_26 = arith.cmpi eq, %select_n3A_24, %eq3A_25 : i32
      %select_n3A_27 = arith.constant 0 : i32
      %select_n3A_28 = arith.select %eq3A_26, %select_n3A_27, %select_n3A_24 : i32
      %add3A_29 = arith.addi %select_n3A_28, %mul3A_6 : i32
      %add3A_30 = arith.constant 1 : i32
      %add3A_31 = arith.addi %select_n3A_28, %add3A_30 : i32
      %select_n3A_32 = arith.constant true
      %select_n3A_33 = arith.select %select_n3A_32, %add3A_31, %select_n3A_28 : i32
      %eq3A_34 = arith.constant 256 : i32
      %eq3A_35 = arith.cmpi eq, %select_n3A_33, %eq3A_34 : i32
      %select_n3A_36 = arith.constant 0 : i32
      %select_n3A_37 = arith.select %eq3A_35, %select_n3A_36, %select_n3A_33 : i32
      %add3A_38 = arith.addi %select_n3A_37, %mul3A_6 : i32
      "tpu.trace_start"() <{level = 10 : i32, message = "ep_initialize_0"}> : () -> ()
      %rem3A = arith.constant 0 : i32
      %rem3A_39 = arith.constant 2 : i32
      %rem3A_40 = arith.remui %rem3A, %rem3A_39 : i32
      %mul3A_41 = arith.constant 128 : i32
      %mul3A_42 = arith.muli %mul3A_41, %add3A_13 : i32
      %dma_start3A = arith.constant 0 : i32
      %dma_start3A_43 = arith.constant 0 : i32
      %dma_start3A_44 = tpu.memref_slice %run_scoped3A[%rem3A_40, %dma_start3A, %dma_start3A_43] : memref<2x2x128xi32, #tpu.memory_space<vmem>> -> memref<1x2x128xi32, #tpu.memory_space<vmem>>
      %dma_start3A_45 = tpu.memref_squeeze %dma_start3A_44 : memref<1x2x128xi32, #tpu.memory_space<vmem>> -> memref<2x128xi32, #tpu.memory_space<vmem>>
      %dma_start3A_46 = arith.constant 0 : i32
      %dma_start3A_47 = tpu.memref_slice %arg4[%dma_start3A_46, %mul3A_42] : memref<2x1048576xi32, #tpu.memory_space<hbm>> -> memref<2x128xi32, #tpu.memory_space<hbm>>
      %dma_start3A_48 = tpu.memref_slice %run_scoped3A_7[%rem3A_40] : memref<2x!tpu.dma_semaphore, #tpu.memory_space<semaphore_mem>> -> memref<1x!tpu.dma_semaphore, #tpu.memory_space<semaphore_mem>>
      %dma_start3A_49 = tpu.memref_squeeze %dma_start3A_48 : memref<1x!tpu.dma_semaphore, #tpu.memory_space<semaphore_mem>> -> memref<!tpu.dma_semaphore, #tpu.memory_space<semaphore_mem>>
      %dma_start3A_50 = arith.constant 0 : i32
      %dma_start3A_51 = arith.constant 0 : i32
      %dma_start3A_52 = tpu.memref_slice %run_scoped3A[%rem3A_40, %dma_start3A_50, %dma_start3A_51] : memref<2x2x128xi32, #tpu.memory_space<vmem>> -> memref<1x2x128xi32, #tpu.memory_space<vmem>>
      %dma_start3A_53 = tpu.memref_squeeze %dma_start3A_52 : memref<1x2x128xi32, #tpu.memory_space<vmem>> -> memref<2x128xi32, #tpu.memory_space<vmem>>
      %dma_start3A_54 = arith.constant 0 : i32
      %dma_start3A_55 = tpu.memref_slice %arg4[%dma_start3A_54, %mul3A_42] : memref<2x1048576xi32, #tpu.memory_space<hbm>> -> memref<2x128xi32, #tpu.memory_space<hbm>>
      tpu.enqueue_dma source(%dma_start3A_55 : memref<2x128xi32, #tpu.memory_space<hbm>>) target(%dma_start3A_53 : memref<2x128xi32, #tpu.memory_space<vmem>>) target_semaphore(%dma_start3A_49 : memref<!tpu.dma_semaphore, #tpu.memory_space<semaphore_mem>>)
      %add3A_56 = arith.constant 0 : i32
      %add3A_57 = arith.constant 1 : i32
      %add3A_58 = arith.addi %add3A_56, %add3A_57 : i32
      %select_n3A_59 = arith.constant true
      %select_n3A_60 = arith.constant 0 : i32
      %select_n3A_61 = arith.select %select_n3A_59, %add3A_58, %select_n3A_60 : i32
      "tpu.trace_stop"() : () -> ()
      %scan3A = arith.constant 0 : i32
      %scan3A_62 = arith.constant 0 : i32
      %scan3A_63 = arith.constant 0 : i32
      %scan3A_64 = arith.constant 0 : i32
      %scan3A_65 = arith.constant 0 : i32
      %scan3A_66 = arith.constant 0 : i32
      %scan3A_67 = arith.constant 0 : i32
      %scan3A_68 = arith.constant 256 : i32
      %scan3A_69 = arith.addi %scan3A_67, %scan3A_68 : i32
      %scan3A_70 = arith.constant 1 : i32
      %scan3A_71:7 = scf.for %scan3A_143 = %scan3A_67 to %scan3A_69 step %scan3A_70 iter_args(%scan3A_144 = %select_n3A_61, %scan3A_145 = %scan3A, %scan3A_146 = %scan3A_62, %scan3A_147 = %scan3A_63, %scan3A_148 = %scan3A_64, %scan3A_149 = %scan3A_65, %scan3A_150 = %scan3A_66) -> (i32, i32, i32, i32, i32, i32, i32)  : i32 {
        %eq3A_151 = arith.constant 0 : i32
        %eq3A_152 = arith.cmpi eq, %scan3A_143, %eq3A_151 : i32
        %eq3A_153 = arith.constant 255 : i32
        %eq3A_154 = arith.cmpi eq, %scan3A_143, %eq3A_153 : i32
        %add3A_155 = arith.addi %scan3A_150, %mul3A_6 : i32
        %sub3A_156 = arith.constant 1 : i32
        %sub3A_157 = arith.subi %scan3A_150, %sub3A_156 : i32
        %select_n3A_158 = arith.constant true
        %select_n3A_159 = arith.select %select_n3A_158, %sub3A_157, %scan3A_150 : i32
        %eq3A_160 = arith.constant -1 : i32
        %eq3A_161 = arith.cmpi eq, %select_n3A_159, %eq3A_160 : i32
        %select_n3A_162 = arith.constant 255 : i32
        %select_n3A_163 = arith.select %eq3A_161, %select_n3A_162, %select_n3A_159 : i32
        %add3A_164 = arith.addi %select_n3A_163, %mul3A_6 : i32
        %add3A_165 = arith.constant 1 : i32
        %add3A_166 = arith.addi %scan3A_150, %add3A_165 : i32
        %select_n3A_167 = arith.constant true
        %select_n3A_168 = arith.select %select_n3A_167, %add3A_166, %scan3A_150 : i32
        %eq3A_169 = arith.constant 256 : i32
        %eq3A_170 = arith.cmpi eq, %select_n3A_168, %eq3A_169 : i32
        %select_n3A_171 = arith.constant 0 : i32
        %select_n3A_172 = arith.select %eq3A_170, %select_n3A_171, %select_n3A_168 : i32
        %add3A_173 = arith.addi %select_n3A_172, %mul3A_6 : i32
        %add3A_174 = arith.constant 1 : i32
        %add3A_175 = arith.addi %select_n3A_172, %add3A_174 : i32
        %select_n3A_176 = arith.constant true
        %select_n3A_177 = arith.select %select_n3A_176, %add3A_175, %select_n3A_172 : i32
        %eq3A_178 = arith.constant 256 : i32
        %eq3A_179 = arith.cmpi eq, %select_n3A_177, %eq3A_178 : i32
        %select_n3A_180 = arith.constant 0 : i32
        %select_n3A_181 = arith.select %eq3A_179, %select_n3A_180, %select_n3A_177 : i32
        %add3A_182 = arith.addi %select_n3A_181, %mul3A_6 : i32
        %ne3A = arith.cmpi ne, %add3A_155, %add3A_173 : i32
        %or3A = arith.constant false
        %or3A_183 = arith.ori %or3A, %ne3A : i1
        %ge3A = arith.constant 255 : i32
        %ge3A_184 = arith.cmpi sge, %scan3A_143, %ge3A : i32
        %not3A = arith.constant true
        %not3A_185 = arith.xori %ge3A_184, %not3A : i1
        %and3A = arith.andi %or3A_183, %not3A_185 : i1
        %convert_element_type3A = arith.extui %and3A : i1 to i32
        %cond3A = arith.constant 0 : i32
        %cond3A_186 = arith.cmpi ne, %convert_element_type3A, %cond3A : i32
        scf.if %cond3A_186 {
          "tpu.trace_start"() <{level = 10 : i32, message = "ep_copy_in"}> : () -> ()
          %rem3A_398 = arith.constant 2 : i32
          %rem3A_399 = arith.remui %scan3A_144, %rem3A_398 : i32
          %mul3A_400 = arith.constant 128 : i32
          %mul3A_401 = arith.muli %mul3A_400, %add3A_173 : i32
          %dma_start3A_402 = arith.constant 0 : i32
          %dma_start3A_403 = arith.constant 0 : i32
          %dma_start3A_404 = tpu.memref_slice %run_scoped3A[%rem3A_399, %dma_start3A_402, %dma_start3A_403] : memref<2x2x128xi32, #tpu.memory_space<vmem>> -> memref<1x2x128xi32, #tpu.memory_space<vmem>>
          %dma_start3A_405 = tpu.memref_squeeze %dma_start3A_404 : memref<1x2x128xi32, #tpu.memory_space<vmem>> -> memref<2x128xi32, #tpu.memory_space<vmem>>
          %dma_start3A_406 = arith.constant 0 : i32
          %dma_start3A_407 = tpu.memref_slice %arg4[%dma_start3A_406, %mul3A_401] : memref<2x1048576xi32, #tpu.memory_space<hbm>> -> memref<2x128xi32, #tpu.memory_space<hbm>>
          %dma_start3A_408 = tpu.memref_slice %run_scoped3A_7[%rem3A_399] : memref<2x!tpu.dma_semaphore, #tpu.memory_space<semaphore_mem>> -> memref<1x!tpu.dma_semaphore, #tpu.memory_space<semaphore_mem>>
          %dma_start3A_409 = tpu.memref_squeeze %dma_start3A_408 : memref<1x!tpu.dma_semaphore, #tpu.memory_space<semaphore_mem>> -> memref<!tpu.dma_semaphore, #tpu.memory_space<semaphore_mem>>
          %dma_start3A_410 = arith.constant 0 : i32
          %dma_start3A_411 = arith.constant 0 : i32
          %dma_start3A_412 = tpu.memref_slice %run_scoped3A[%rem3A_399, %dma_start3A_410, %dma_start3A_411] : memref<2x2x128xi32, #tpu.memory_space<vmem>> -> memref<1x2x128xi32, #tpu.memory_space<vmem>>
          %dma_start3A_413 = tpu.memref_squeeze %dma_start3A_412 : memref<1x2x128xi32, #tpu.memory_space<vmem>> -> memref<2x128xi32, #tpu.memory_space<vmem>>
          %dma_start3A_414 = arith.constant 0 : i32
          %dma_start3A_415 = tpu.memref_slice %arg4[%dma_start3A_414, %mul3A_401] : memref<2x1048576xi32, #tpu.memory_space<hbm>> -> memref<2x128xi32, #tpu.memory_space<hbm>>
          tpu.enqueue_dma source(%dma_start3A_415 : memref<2x128xi32, #tpu.memory_space<hbm>>) target(%dma_start3A_413 : memref<2x128xi32, #tpu.memory_space<vmem>>) target_semaphore(%dma_start3A_409 : memref<!tpu.dma_semaphore, #tpu.memory_space<semaphore_mem>>)
          "tpu.trace_stop"() : () -> ()
        } else {
        }
        %and3A_187 = arith.constant true
        %and3A_188 = arith.andi %and3A, %and3A_187 : i1
        %add3A_189 = arith.constant 1 : i32
        %add3A_190 = arith.addi %scan3A_144, %add3A_189 : i32
        %select_n3A_191 = arith.select %and3A_188, %add3A_190, %scan3A_144 : i32
        %ne3A_192 = arith.cmpi ne, %add3A_155, %add3A_173 : i32
        %or3A_193 = arith.constant false
        %or3A_194 = arith.ori %or3A_193, %ne3A_192 : i1
        %or3A_195 = arith.constant false
        %or3A_196 = arith.ori %or3A_194, %or3A_195 : i1
        %ge3A_197 = arith.constant 255 : i32
        %ge3A_198 = arith.cmpi sge, %scan3A_143, %ge3A_197 : i32
        %not3A_199 = arith.constant true
        %not3A_200 = arith.xori %ge3A_198, %not3A_199 : i1
        %and3A_201 = arith.andi %or3A_196, %not3A_200 : i1
        %ne3A_202 = arith.cmpi ne, %add3A_155, %add3A_173 : i32
        %or3A_203 = arith.constant false
        %or3A_204 = arith.ori %or3A_203, %ne3A_202 : i1
        %or3A_205 = arith.constant false
        %or3A_206 = arith.ori %or3A_204, %or3A_205 : i1
        %ge3A_207 = arith.constant 255 : i32
        %ge3A_208 = arith.cmpi sge, %scan3A_143, %ge3A_207 : i32
        %not3A_209 = arith.constant true
        %not3A_210 = arith.xori %ge3A_208, %not3A_209 : i1
        %and3A_211 = arith.andi %or3A_206, %not3A_210 : i1
        %ne3A_212 = arith.cmpi ne, %add3A_155, %add3A_164 : i32
        %or3A_213 = arith.constant false
        %or3A_214 = arith.ori %or3A_213, %ne3A_212 : i1
        %or3A_215 = arith.ori %or3A_214, %eq3A_152 : i1
        %convert_element_type3A_216 = arith.extui %or3A_215 : i1 to i32
        %cond3A_217 = arith.constant 0 : i32
        %cond3A_218 = arith.cmpi ne, %convert_element_type3A_216, %cond3A_217 : i32
        scf.if %cond3A_218 {
          "tpu.trace_start"() <{level = 10 : i32, message = "ep_wait_in"}> : () -> ()
          %mul3A_398 = arith.constant 128 : i32
          %mul3A_399 = arith.muli %mul3A_398, %add3A_155 : i32
          %rem3A_400 = arith.constant 2 : i32
          %rem3A_401 = arith.remui %scan3A_145, %rem3A_400 : i32
          %dma_wait3A_402 = arith.constant 0 : i32
          %dma_wait3A_403 = arith.constant 0 : i32
          %dma_wait3A_404 = tpu.memref_slice %run_scoped3A[%rem3A_401, %dma_wait3A_402, %dma_wait3A_403] : memref<2x2x128xi32, #tpu.memory_space<vmem>> -> memref<1x2x128xi32, #tpu.memory_space<vmem>>
          %dma_wait3A_405 = tpu.memref_squeeze %dma_wait3A_404 : memref<1x2x128xi32, #tpu.memory_space<vmem>> -> memref<2x128xi32, #tpu.memory_space<vmem>>
          %dma_wait3A_406 = arith.constant 0 : i32
          %dma_wait3A_407 = tpu.memref_slice %arg4[%dma_wait3A_406, %mul3A_399] : memref<2x1048576xi32, #tpu.memory_space<hbm>> -> memref<2x128xi32, #tpu.memory_space<hbm>>
          %dma_wait3A_408 = tpu.memref_slice %run_scoped3A_7[%rem3A_401] : memref<2x!tpu.dma_semaphore, #tpu.memory_space<semaphore_mem>> -> memref<1x!tpu.dma_semaphore, #tpu.memory_space<semaphore_mem>>
          %dma_wait3A_409 = tpu.memref_squeeze %dma_wait3A_408 : memref<1x!tpu.dma_semaphore, #tpu.memory_space<semaphore_mem>> -> memref<!tpu.dma_semaphore, #tpu.memory_space<semaphore_mem>>
          %dma_wait3A_410 = arith.constant 0 : i32
          %dma_wait3A_411 = arith.constant 0 : i32
          %dma_wait3A_412 = tpu.memref_slice %run_scoped3A[%rem3A_401, %dma_wait3A_410, %dma_wait3A_411] : memref<2x2x128xi32, #tpu.memory_space<vmem>> -> memref<1x2x128xi32, #tpu.memory_space<vmem>>
          %dma_wait3A_413 = tpu.memref_squeeze %dma_wait3A_412 : memref<1x2x128xi32, #tpu.memory_space<vmem>> -> memref<2x128xi32, #tpu.memory_space<vmem>>
          %dma_wait3A_414 = arith.constant 0 : i32
          %dma_wait3A_415 = tpu.memref_slice %arg4[%dma_wait3A_414, %mul3A_399] : memref<2x1048576xi32, #tpu.memory_space<hbm>> -> memref<2x128xi32, #tpu.memory_space<hbm>>
          tpu.wait_dma2 semaphore(%dma_wait3A_409 : memref<!tpu.dma_semaphore, #tpu.memory_space<semaphore_mem>>) src(%dma_wait3A_415 : memref<2x128xi32, #tpu.memory_space<hbm>>) dst(%dma_wait3A_413 : memref<2x128xi32, #tpu.memory_space<vmem>>)
          "tpu.trace_stop"() : () -> ()
        } else {
        }
        %ne3A_219 = arith.cmpi ne, %add3A_155, %add3A_164 : i32
        %or3A_220 = arith.constant false
        %or3A_221 = arith.ori %or3A_220, %ne3A_219 : i1
        %or3A_222 = arith.constant false
        %or3A_223 = arith.ori %or3A_221, %or3A_222 : i1
        %or3A_224 = arith.ori %or3A_223, %eq3A_152 : i1
        %convert_element_type3A_225 = arith.extui %or3A_224 : i1 to i32
        %cond3A_226 = arith.constant 0 : i32
        %cond3A_227 = arith.cmpi ne, %convert_element_type3A_225, %cond3A_226 : i32
        scf.if %cond3A_227 {
        } else {
        }
        %ne3A_228 = arith.cmpi ne, %add3A_155, %add3A_164 : i32
        %or3A_229 = arith.constant false
        %or3A_230 = arith.ori %or3A_229, %ne3A_228 : i1
        %or3A_231 = arith.constant false
        %or3A_232 = arith.ori %or3A_230, %or3A_231 : i1
        %or3A_233 = arith.ori %or3A_232, %eq3A_152 : i1
        %convert_element_type3A_234 = arith.extui %or3A_233 : i1 to i32
        %cond3A_235 = arith.constant 0 : i32
        %cond3A_236 = arith.cmpi ne, %convert_element_type3A_234, %cond3A_235 : i32
        scf.if %cond3A_236 {
        } else {
        }
        %rem3A_237 = arith.constant 2 : i32
        %rem3A_238 = arith.remui %scan3A_145, %rem3A_237 : i32
        %rem3A_239 = arith.constant 2 : i32
        %rem3A_240 = arith.remui %scan3A_146, %rem3A_239 : i32
        %rem3A_241 = arith.constant 2 : i32
        %rem3A_242 = arith.remui %scan3A_148, %rem3A_241 : i32
        %dma_start3A_243 = arith.constant 0 : i32
        "tpu.trace_start"() <{level = 10 : i32, message = "ep_run_kernel"}> : () -> ()
        %dma_start3A_244 = arith.constant 0 : i32
        %dma_start3A_245 = arith.constant 0 : i32
        %dma_start3A_246 = tpu.memref_slice %run_scoped3A_8[%rem3A_240, %dma_start3A_244, %dma_start3A_245] : memref<2x128x16xf32, #tpu.memory_space<vmem>> -> memref<1x128x16xf32, #tpu.memory_space<vmem>>
        %dma_start3A_247 = tpu.memref_squeeze %dma_start3A_246 : memref<1x128x16xf32, #tpu.memory_space<vmem>> -> memref<128x16xf32, #tpu.memory_space<vmem>>
        %dma_start3A_248 = arith.constant 0 : i32
        %dma_start3A_249 = arith.constant 0 : i32
        %dma_start3A_250 = tpu.memref_slice %run_scoped3A[%rem3A_238, %dma_start3A_248, %dma_start3A_249] : memref<2x2x128xi32, #tpu.memory_space<vmem>> -> memref<1x2x128xi32, #tpu.memory_space<vmem>>
        %dma_start3A_251 = tpu.memref_squeeze %dma_start3A_250 : memref<1x2x128xi32, #tpu.memory_space<vmem>> -> memref<2x128xi32, #tpu.memory_space<vmem>>
        %dma_start3A_252 = arith.constant 0 : i32
        %dma_start3A_253 = tpu.memref_slice %dma_start3A_251[%dma_start3A_243, %dma_start3A_252] : memref<2x128xi32, #tpu.memory_space<vmem>> -> memref<1x128xi32, #tpu.memory_space<vmem>>
        %dma_start3A_254 = tpu.memref_squeeze %dma_start3A_253 : memref<1x128xi32, #tpu.memory_space<vmem>> -> memref<128xi32, #tpu.memory_space<vmem>>
        %dma_start3A_255 = arith.constant 0 : i32
        %dma_start3A_256 = arith.constant 0 : i32
        %dma_start3A_257 = tpu.memref_slice %arg2[%dma_start3A_255, %dma_start3A_256] : memref<100000x16xf32, #tpu.memory_space<hbm>> -> memref<100000x16xf32, #tpu.memory_space<hbm>>
        tpu.enqueue_indirect_dma source(%dma_start3A_257 : memref<100000x16xf32, #tpu.memory_space<hbm>>) target(%dma_start3A_247 : memref<128x16xf32, #tpu.memory_space<vmem>>) offsets(%dma_start3A_254 : memref<128xi32, #tpu.memory_space<vmem>>) semaphore(%arg7 : memref<!tpu.dma_semaphore, #tpu.memory_space<semaphore_mem>>)
        %dma_start3A_258 = arith.constant 1 : i32
        %dma_start3A_259 = arith.constant 0 : i32
        %dma_start3A_260 = arith.constant 0 : i32
        %dma_start3A_261 = tpu.memref_slice %run_scoped3A_10[%rem3A_242, %dma_start3A_259, %dma_start3A_260] : memref<2x128x16xf32, #tpu.memory_space<vmem>> -> memref<1x128x16xf32, #tpu.memory_space<vmem>>
        %dma_start3A_262 = tpu.memref_squeeze %dma_start3A_261 : memref<1x128x16xf32, #tpu.memory_space<vmem>> -> memref<128x16xf32, #tpu.memory_space<vmem>>
        %dma_start3A_263 = arith.constant 0 : i32
        %dma_start3A_264 = arith.constant 0 : i32
        %dma_start3A_265 = tpu.memref_slice %run_scoped3A[%rem3A_238, %dma_start3A_263, %dma_start3A_264] : memref<2x2x128xi32, #tpu.memory_space<vmem>> -> memref<1x2x128xi32, #tpu.memory_space<vmem>>
        %dma_start3A_266 = tpu.memref_squeeze %dma_start3A_265 : memref<1x2x128xi32, #tpu.memory_space<vmem>> -> memref<2x128xi32, #tpu.memory_space<vmem>>
        %dma_start3A_267 = arith.constant 0 : i32
        %dma_start3A_268 = tpu.memref_slice %dma_start3A_266[%dma_start3A_258, %dma_start3A_267] : memref<2x128xi32, #tpu.memory_space<vmem>> -> memref<1x128xi32, #tpu.memory_space<vmem>>
        %dma_start3A_269 = tpu.memref_squeeze %dma_start3A_268 : memref<1x128xi32, #tpu.memory_space<vmem>> -> memref<128xi32, #tpu.memory_space<vmem>>
        %dma_start3A_270 = arith.constant 0 : i32
        %dma_start3A_271 = arith.constant 0 : i32
        %dma_start3A_272 = tpu.memref_slice %arg3[%dma_start3A_270, %dma_start3A_271] : memref<100000x16xf32, #tpu.memory_space<hbm>> -> memref<100000x16xf32, #tpu.memory_space<hbm>>
        tpu.enqueue_indirect_dma source(%dma_start3A_272 : memref<100000x16xf32, #tpu.memory_space<hbm>>) target(%dma_start3A_262 : memref<128x16xf32, #tpu.memory_space<vmem>>) offsets(%dma_start3A_269 : memref<128xi32, #tpu.memory_space<vmem>>) semaphore(%arg8 : memref<!tpu.dma_semaphore, #tpu.memory_space<semaphore_mem>>)
        %dma_wait3A_273 = arith.constant 0 : i32
        %dma_wait3A_274 = arith.constant 0 : i32
        %dma_wait3A_275 = arith.constant 0 : i32
        %dma_wait3A_276 = tpu.memref_slice %run_scoped3A_8[%rem3A_240, %dma_wait3A_274, %dma_wait3A_275] : memref<2x128x16xf32, #tpu.memory_space<vmem>> -> memref<1x128x16xf32, #tpu.memory_space<vmem>>
        %dma_wait3A_277 = tpu.memref_squeeze %dma_wait3A_276 : memref<1x128x16xf32, #tpu.memory_space<vmem>> -> memref<128x16xf32, #tpu.memory_space<vmem>>
        %dma_wait3A_278 = arith.constant 0 : i32
        %dma_wait3A_279 = arith.constant 0 : i32
        %dma_wait3A_280 = tpu.memref_slice %run_scoped3A[%rem3A_238, %dma_wait3A_278, %dma_wait3A_279] : memref<2x2x128xi32, #tpu.memory_space<vmem>> -> memref<1x2x128xi32, #tpu.memory_space<vmem>>
        %dma_wait3A_281 = tpu.memref_squeeze %dma_wait3A_280 : memref<1x2x128xi32, #tpu.memory_space<vmem>> -> memref<2x128xi32, #tpu.memory_space<vmem>>
        %dma_wait3A_282 = arith.constant 0 : i32
        %dma_wait3A_283 = tpu.memref_slice %dma_wait3A_281[%dma_wait3A_273, %dma_wait3A_282] : memref<2x128xi32, #tpu.memory_space<vmem>> -> memref<1x128xi32, #tpu.memory_space<vmem>>
        %dma_wait3A_284 = tpu.memref_squeeze %dma_wait3A_283 : memref<1x128xi32, #tpu.memory_space<vmem>> -> memref<128xi32, #tpu.memory_space<vmem>>
        %dma_wait3A_285 = arith.constant 0 : i32
        %dma_wait3A_286 = arith.constant 0 : i32
        %dma_wait3A_287 = tpu.memref_slice %arg2[%dma_wait3A_285, %dma_wait3A_286] : memref<100000x16xf32, #tpu.memory_space<hbm>> -> memref<100000x16xf32, #tpu.memory_space<hbm>>
        tpu.wait_indirect_dma semaphore(%arg7 : memref<!tpu.dma_semaphore, #tpu.memory_space<semaphore_mem>>) src(%dma_wait3A_287 : memref<100000x16xf32, #tpu.memory_space<hbm>>) dst(%dma_wait3A_277 : memref<128x16xf32, #tpu.memory_space<vmem>>)
        %dma_wait3A_288 = arith.constant 1 : i32
        %dma_wait3A_289 = arith.constant 0 : i32
        %dma_wait3A_290 = arith.constant 0 : i32
        %dma_wait3A_291 = tpu.memref_slice %run_scoped3A_10[%rem3A_242, %dma_wait3A_289, %dma_wait3A_290] : memref<2x128x16xf32, #tpu.memory_space<vmem>> -> memref<1x128x16xf32, #tpu.memory_space<vmem>>
        %dma_wait3A_292 = tpu.memref_squeeze %dma_wait3A_291 : memref<1x128x16xf32, #tpu.memory_space<vmem>> -> memref<128x16xf32, #tpu.memory_space<vmem>>
        %dma_wait3A_293 = arith.constant 0 : i32
        %dma_wait3A_294 = arith.constant 0 : i32
        %dma_wait3A_295 = tpu.memref_slice %run_scoped3A[%rem3A_238, %dma_wait3A_293, %dma_wait3A_294] : memref<2x2x128xi32, #tpu.memory_space<vmem>> -> memref<1x2x128xi32, #tpu.memory_space<vmem>>
        %dma_wait3A_296 = tpu.memref_squeeze %dma_wait3A_295 : memref<1x2x128xi32, #tpu.memory_space<vmem>> -> memref<2x128xi32, #tpu.memory_space<vmem>>
        %dma_wait3A_297 = arith.constant 0 : i32
        %dma_wait3A_298 = tpu.memref_slice %dma_wait3A_296[%dma_wait3A_288, %dma_wait3A_297] : memref<2x128xi32, #tpu.memory_space<vmem>> -> memref<1x128xi32, #tpu.memory_space<vmem>>
        %dma_wait3A_299 = tpu.memref_squeeze %dma_wait3A_298 : memref<1x128xi32, #tpu.memory_space<vmem>> -> memref<128xi32, #tpu.memory_space<vmem>>
        %dma_wait3A_300 = arith.constant 0 : i32
        %dma_wait3A_301 = arith.constant 0 : i32
        %dma_wait3A_302 = tpu.memref_slice %arg3[%dma_wait3A_300, %dma_wait3A_301] : memref<100000x16xf32, #tpu.memory_space<hbm>> -> memref<100000x16xf32, #tpu.memory_space<hbm>>
        tpu.wait_indirect_dma semaphore(%arg8 : memref<!tpu.dma_semaphore, #tpu.memory_space<semaphore_mem>>) src(%dma_wait3A_302 : memref<100000x16xf32, #tpu.memory_space<hbm>>) dst(%dma_wait3A_292 : memref<128x16xf32, #tpu.memory_space<vmem>>)
        "tpu.trace_stop"() : () -> ()
        %ne3A_303 = arith.cmpi ne, %add3A_155, %add3A_173 : i32
        %or3A_304 = arith.constant false
        %or3A_305 = arith.ori %or3A_304, %ne3A_303 : i1
        %or3A_306 = arith.ori %or3A_305, %eq3A_154 : i1
        %convert_element_type3A_307 = arith.extui %or3A_306 : i1 to i32
        %cond3A_308 = arith.constant 0 : i32
        %cond3A_309 = arith.cmpi ne, %convert_element_type3A_307, %cond3A_308 : i32
        scf.if %cond3A_309 {
        } else {
        }
        %and3A_310 = arith.constant false
        %and3A_311 = arith.andi %or3A_306, %and3A_310 : i1
        %ne3A_312 = arith.cmpi ne, %add3A_155, %add3A_173 : i32
        %or3A_313 = arith.constant false
        %or3A_314 = arith.ori %or3A_313, %ne3A_312 : i1
        %or3A_315 = arith.constant false
        %or3A_316 = arith.ori %or3A_314, %or3A_315 : i1
        %or3A_317 = arith.ori %or3A_316, %eq3A_154 : i1
        %convert_element_type3A_318 = arith.extui %or3A_317 : i1 to i32
        %cond3A_319 = arith.constant 0 : i32
        %cond3A_320 = arith.cmpi ne, %convert_element_type3A_318, %cond3A_319 : i32
        scf.if %cond3A_320 {
          "tpu.trace_start"() <{level = 10 : i32, message = "ep_copy_out"}> : () -> ()
          %rem3A_398 = arith.constant 2 : i32
          %rem3A_399 = arith.remui %scan3A_146, %rem3A_398 : i32
          %mul3A_400 = arith.constant 128 : i32
          %mul3A_401 = arith.muli %mul3A_400, %add3A_155 : i32
          %dma_start3A_402 = arith.constant 0 : i32
          %dma_start3A_403 = arith.constant 0 : i32
          %dma_start3A_404 = tpu.memref_slice %run_scoped3A_8[%rem3A_399, %dma_start3A_402, %dma_start3A_403] : memref<2x128x16xf32, #tpu.memory_space<vmem>> -> memref<1x128x16xf32, #tpu.memory_space<vmem>>
          %dma_start3A_405 = tpu.memref_squeeze %dma_start3A_404 : memref<1x128x16xf32, #tpu.memory_space<vmem>> -> memref<128x16xf32, #tpu.memory_space<vmem>>
          %dma_start3A_406 = arith.constant 0 : i32
          %dma_start3A_407 = tpu.memref_slice %arg5[%mul3A_401, %dma_start3A_406] : memref<1048576x16xf32, #tpu.memory_space<hbm>> -> memref<128x16xf32, #tpu.memory_space<hbm>>
          %dma_start3A_408 = tpu.memref_slice %run_scoped3A_9[%rem3A_399] : memref<2x!tpu.dma_semaphore, #tpu.memory_space<semaphore_mem>> -> memref<1x!tpu.dma_semaphore, #tpu.memory_space<semaphore_mem>>
          %dma_start3A_409 = tpu.memref_squeeze %dma_start3A_408 : memref<1x!tpu.dma_semaphore, #tpu.memory_space<semaphore_mem>> -> memref<!tpu.dma_semaphore, #tpu.memory_space<semaphore_mem>>
          %dma_start3A_410 = arith.constant 0 : i32
          %dma_start3A_411 = tpu.memref_slice %arg5[%mul3A_401, %dma_start3A_410] : memref<1048576x16xf32, #tpu.memory_space<hbm>> -> memref<128x16xf32, #tpu.memory_space<hbm>>
          %dma_start3A_412 = arith.constant 0 : i32
          %dma_start3A_413 = arith.constant 0 : i32
          %dma_start3A_414 = tpu.memref_slice %run_scoped3A_8[%rem3A_399, %dma_start3A_412, %dma_start3A_413] : memref<2x128x16xf32, #tpu.memory_space<vmem>> -> memref<1x128x16xf32, #tpu.memory_space<vmem>>
          %dma_start3A_415 = tpu.memref_squeeze %dma_start3A_414 : memref<1x128x16xf32, #tpu.memory_space<vmem>> -> memref<128x16xf32, #tpu.memory_space<vmem>>
          tpu.enqueue_dma source(%dma_start3A_415 : memref<128x16xf32, #tpu.memory_space<vmem>>) target(%dma_start3A_411 : memref<128x16xf32, #tpu.memory_space<hbm>>) target_semaphore(%dma_start3A_409 : memref<!tpu.dma_semaphore, #tpu.memory_space<semaphore_mem>>)
          "tpu.trace_stop"() : () -> ()
        } else {
        }
        %and3A_321 = arith.constant true
        %and3A_322 = arith.andi %or3A_317, %and3A_321 : i1
        %add3A_323 = arith.constant 1 : i32
        %add3A_324 = arith.addi %scan3A_146, %add3A_323 : i32
        %select_n3A_325 = arith.select %and3A_322, %add3A_324, %scan3A_146 : i32
        %ne3A_326 = arith.cmpi ne, %add3A_155, %add3A_173 : i32
        %or3A_327 = arith.constant false
        %or3A_328 = arith.ori %or3A_327, %ne3A_326 : i1
        %or3A_329 = arith.constant false
        %or3A_330 = arith.ori %or3A_328, %or3A_329 : i1
        %or3A_331 = arith.ori %or3A_330, %eq3A_154 : i1
        %convert_element_type3A_332 = arith.extui %or3A_331 : i1 to i32
        %cond3A_333 = arith.constant 0 : i32
        %cond3A_334 = arith.cmpi ne, %convert_element_type3A_332, %cond3A_333 : i32
        scf.if %cond3A_334 {
          "tpu.trace_start"() <{level = 10 : i32, message = "ep_copy_out"}> : () -> ()
          %rem3A_398 = arith.constant 2 : i32
          %rem3A_399 = arith.remui %scan3A_148, %rem3A_398 : i32
          %mul3A_400 = arith.constant 128 : i32
          %mul3A_401 = arith.muli %mul3A_400, %add3A_155 : i32
          %dma_start3A_402 = arith.constant 0 : i32
          %dma_start3A_403 = arith.constant 0 : i32
          %dma_start3A_404 = tpu.memref_slice %run_scoped3A_10[%rem3A_399, %dma_start3A_402, %dma_start3A_403] : memref<2x128x16xf32, #tpu.memory_space<vmem>> -> memref<1x128x16xf32, #tpu.memory_space<vmem>>
          %dma_start3A_405 = tpu.memref_squeeze %dma_start3A_404 : memref<1x128x16xf32, #tpu.memory_space<vmem>> -> memref<128x16xf32, #tpu.memory_space<vmem>>
          %dma_start3A_406 = arith.constant 0 : i32
          %dma_start3A_407 = tpu.memref_slice %arg6[%mul3A_401, %dma_start3A_406] : memref<1048576x16xf32, #tpu.memory_space<hbm>> -> memref<128x16xf32, #tpu.memory_space<hbm>>
          %dma_start3A_408 = tpu.memref_slice %run_scoped3A_11[%rem3A_399] : memref<2x!tpu.dma_semaphore, #tpu.memory_space<semaphore_mem>> -> memref<1x!tpu.dma_semaphore, #tpu.memory_space<semaphore_mem>>
          %dma_start3A_409 = tpu.memref_squeeze %dma_start3A_408 : memref<1x!tpu.dma_semaphore, #tpu.memory_space<semaphore_mem>> -> memref<!tpu.dma_semaphore, #tpu.memory_space<semaphore_mem>>
          %dma_start3A_410 = arith.constant 0 : i32
          %dma_start3A_411 = tpu.memref_slice %arg6[%mul3A_401, %dma_start3A_410] : memref<1048576x16xf32, #tpu.memory_space<hbm>> -> memref<128x16xf32, #tpu.memory_space<hbm>>
          %dma_start3A_412 = arith.constant 0 : i32
          %dma_start3A_413 = arith.constant 0 : i32
          %dma_start3A_414 = tpu.memref_slice %run_scoped3A_10[%rem3A_399, %dma_start3A_412, %dma_start3A_413] : memref<2x128x16xf32, #tpu.memory_space<vmem>> -> memref<1x128x16xf32, #tpu.memory_space<vmem>>
          %dma_start3A_415 = tpu.memref_squeeze %dma_start3A_414 : memref<1x128x16xf32, #tpu.memory_space<vmem>> -> memref<128x16xf32, #tpu.memory_space<vmem>>
          tpu.enqueue_dma source(%dma_start3A_415 : memref<128x16xf32, #tpu.memory_space<vmem>>) target(%dma_start3A_411 : memref<128x16xf32, #tpu.memory_space<hbm>>) target_semaphore(%dma_start3A_409 : memref<!tpu.dma_semaphore, #tpu.memory_space<semaphore_mem>>)
          "tpu.trace_stop"() : () -> ()
        } else {
        }
        %and3A_335 = arith.constant true
        %and3A_336 = arith.andi %or3A_331, %and3A_335 : i1
        %add3A_337 = arith.constant 1 : i32
        %add3A_338 = arith.addi %scan3A_148, %add3A_337 : i32
        %select_n3A_339 = arith.select %and3A_336, %add3A_338, %scan3A_148 : i32
        %ne3A_340 = arith.cmpi ne, %add3A_155, %add3A_164 : i32
        %or3A_341 = arith.constant false
        %or3A_342 = arith.ori %or3A_341, %ne3A_340 : i1
        %not3A_343 = arith.constant true
        %not3A_344 = arith.xori %eq3A_152, %not3A_343 : i1
        %and3A_345 = arith.andi %or3A_342, %not3A_344 : i1
        %convert_element_type3A_346 = arith.extui %and3A_345 : i1 to i32
        %cond3A_347 = arith.constant 0 : i32
        %cond3A_348 = arith.cmpi ne, %convert_element_type3A_346, %cond3A_347 : i32
        scf.if %cond3A_348 {
        } else {
        }
        %and3A_349 = arith.constant false
        %and3A_350 = arith.andi %and3A_345, %and3A_349 : i1
        %ne3A_351 = arith.cmpi ne, %add3A_155, %add3A_164 : i32
        %or3A_352 = arith.constant false
        %or3A_353 = arith.ori %or3A_352, %ne3A_351 : i1
        %or3A_354 = arith.constant false
        %or3A_355 = arith.ori %or3A_353, %or3A_354 : i1
        %not3A_356 = arith.constant true
        %not3A_357 = arith.xori %eq3A_152, %not3A_356 : i1
        %and3A_358 = arith.andi %or3A_355, %not3A_357 : i1
        %convert_element_type3A_359 = arith.extui %and3A_358 : i1 to i32
        %cond3A_360 = arith.constant 0 : i32
        %cond3A_361 = arith.cmpi ne, %convert_element_type3A_359, %cond3A_360 : i32
        scf.if %cond3A_361 {
          "tpu.trace_start"() <{level = 10 : i32, message = "ep_wait_out"}> : () -> ()
          %rem3A_398 = arith.constant 2 : i32
          %rem3A_399 = arith.remui %scan3A_147, %rem3A_398 : i32
          %mul3A_400 = arith.constant 128 : i32
          %mul3A_401 = arith.muli %mul3A_400, %add3A_164 : i32
          %dma_wait3A_402 = arith.constant 0 : i32
          %dma_wait3A_403 = arith.constant 0 : i32
          %dma_wait3A_404 = tpu.memref_slice %run_scoped3A_8[%rem3A_399, %dma_wait3A_402, %dma_wait3A_403] : memref<2x128x16xf32, #tpu.memory_space<vmem>> -> memref<1x128x16xf32, #tpu.memory_space<vmem>>
          %dma_wait3A_405 = tpu.memref_squeeze %dma_wait3A_404 : memref<1x128x16xf32, #tpu.memory_space<vmem>> -> memref<128x16xf32, #tpu.memory_space<vmem>>
          %dma_wait3A_406 = arith.constant 0 : i32
          %dma_wait3A_407 = tpu.memref_slice %arg5[%mul3A_401, %dma_wait3A_406] : memref<1048576x16xf32, #tpu.memory_space<hbm>> -> memref<128x16xf32, #tpu.memory_space<hbm>>
          %dma_wait3A_408 = tpu.memref_slice %run_scoped3A_9[%rem3A_399] : memref<2x!tpu.dma_semaphore, #tpu.memory_space<semaphore_mem>> -> memref<1x!tpu.dma_semaphore, #tpu.memory_space<semaphore_mem>>
          %dma_wait3A_409 = tpu.memref_squeeze %dma_wait3A_408 : memref<1x!tpu.dma_semaphore, #tpu.memory_space<semaphore_mem>> -> memref<!tpu.dma_semaphore, #tpu.memory_space<semaphore_mem>>
          %dma_wait3A_410 = arith.constant 0 : i32
          %dma_wait3A_411 = tpu.memref_slice %arg5[%mul3A_401, %dma_wait3A_410] : memref<1048576x16xf32, #tpu.memory_space<hbm>> -> memref<128x16xf32, #tpu.memory_space<hbm>>
          %dma_wait3A_412 = arith.constant 0 : i32
          %dma_wait3A_413 = arith.constant 0 : i32
          %dma_wait3A_414 = tpu.memref_slice %run_scoped3A_8[%rem3A_399, %dma_wait3A_412, %dma_wait3A_413] : memref<2x128x16xf32, #tpu.memory_space<vmem>> -> memref<1x128x16xf32, #tpu.memory_space<vmem>>
          %dma_wait3A_415 = tpu.memref_squeeze %dma_wait3A_414 : memref<1x128x16xf32, #tpu.memory_space<vmem>> -> memref<128x16xf32, #tpu.memory_space<vmem>>
          tpu.wait_dma2 semaphore(%dma_wait3A_409 : memref<!tpu.dma_semaphore, #tpu.memory_space<semaphore_mem>>) src(%dma_wait3A_415 : memref<128x16xf32, #tpu.memory_space<vmem>>) dst(%dma_wait3A_411 : memref<128x16xf32, #tpu.memory_space<hbm>>)
          "tpu.trace_stop"() : () -> ()
        } else {
        }
        %and3A_362 = arith.constant true
        %and3A_363 = arith.andi %and3A_358, %and3A_362 : i1
        %add3A_364 = arith.constant 1 : i32
        %add3A_365 = arith.addi %scan3A_147, %add3A_364 : i32
        %select_n3A_366 = arith.select %and3A_363, %add3A_365, %scan3A_147 : i32
        %ne3A_367 = arith.cmpi ne, %add3A_155, %add3A_164 : i32
        %or3A_368 = arith.constant false
        %or3A_369 = arith.ori %or3A_368, %ne3A_367 : i1
        %or3A_370 = arith.constant false
        %or3A_371 = arith.ori %or3A_369, %or3A_370 : i1
        %not3A_372 = arith.constant true
        %not3A_373 = arith.xori %eq3A_152, %not3A_372 : i1
        %and3A_374 = arith.andi %or3A_371, %not3A_373 : i1
        %convert_element_type3A_375 = arith.extui %and3A_374 : i1 to i32
        %cond3A_376 = arith.constant 0 : i32
        %cond3A_377 = arith.cmpi ne, %convert_element_type3A_375, %cond3A_376 : i32
        scf.if %cond3A_377 {
          "tpu.trace_start"() <{level = 10 : i32, message = "ep_wait_out"}> : () -> ()
          %rem3A_398 = arith.constant 2 : i32
          %rem3A_399 = arith.remui %scan3A_149, %rem3A_398 : i32
          %mul3A_400 = arith.constant 128 : i32
          %mul3A_401 = arith.muli %mul3A_400, %add3A_164 : i32
          %dma_wait3A_402 = arith.constant 0 : i32
          %dma_wait3A_403 = arith.constant 0 : i32
          %dma_wait3A_404 = tpu.memref_slice %run_scoped3A_10[%rem3A_399, %dma_wait3A_402, %dma_wait3A_403] : memref<2x128x16xf32, #tpu.memory_space<vmem>> -> memref<1x128x16xf32, #tpu.memory_space<vmem>>
          %dma_wait3A_405 = tpu.memref_squeeze %dma_wait3A_404 : memref<1x128x16xf32, #tpu.memory_space<vmem>> -> memref<128x16xf32, #tpu.memory_space<vmem>>
          %dma_wait3A_406 = arith.constant 0 : i32
          %dma_wait3A_407 = tpu.memref_slice %arg6[%mul3A_401, %dma_wait3A_406] : memref<1048576x16xf32, #tpu.memory_space<hbm>> -> memref<128x16xf32, #tpu.memory_space<hbm>>
          %dma_wait3A_408 = tpu.memref_slice %run_scoped3A_11[%rem3A_399] : memref<2x!tpu.dma_semaphore, #tpu.memory_space<semaphore_mem>> -> memref<1x!tpu.dma_semaphore, #tpu.memory_space<semaphore_mem>>
          %dma_wait3A_409 = tpu.memref_squeeze %dma_wait3A_408 : memref<1x!tpu.dma_semaphore, #tpu.memory_space<semaphore_mem>> -> memref<!tpu.dma_semaphore, #tpu.memory_space<semaphore_mem>>
          %dma_wait3A_410 = arith.constant 0 : i32
          %dma_wait3A_411 = tpu.memref_slice %arg6[%mul3A_401, %dma_wait3A_410] : memref<1048576x16xf32, #tpu.memory_space<hbm>> -> memref<128x16xf32, #tpu.memory_space<hbm>>
          %dma_wait3A_412 = arith.constant 0 : i32
          %dma_wait3A_413 = arith.constant 0 : i32
          %dma_wait3A_414 = tpu.memref_slice %run_scoped3A_10[%rem3A_399, %dma_wait3A_412, %dma_wait3A_413] : memref<2x128x16xf32, #tpu.memory_space<vmem>> -> memref<1x128x16xf32, #tpu.memory_space<vmem>>
          %dma_wait3A_415 = tpu.memref_squeeze %dma_wait3A_414 : memref<1x128x16xf32, #tpu.memory_space<vmem>> -> memref<128x16xf32, #tpu.memory_space<vmem>>
          tpu.wait_dma2 semaphore(%dma_wait3A_409 : memref<!tpu.dma_semaphore, #tpu.memory_space<semaphore_mem>>) src(%dma_wait3A_415 : memref<128x16xf32, #tpu.memory_space<vmem>>) dst(%dma_wait3A_411 : memref<128x16xf32, #tpu.memory_space<hbm>>)
          "tpu.trace_stop"() : () -> ()
        } else {
        }
        %and3A_378 = arith.constant true
        %and3A_379 = arith.andi %and3A_374, %and3A_378 : i1
        %add3A_380 = arith.constant 1 : i32
        %add3A_381 = arith.addi %scan3A_149, %add3A_380 : i32
        %select_n3A_382 = arith.select %and3A_379, %add3A_381, %scan3A_149 : i32
        %ne3A_383 = arith.cmpi ne, %add3A_155, %add3A_173 : i32
        %or3A_384 = arith.constant false
        %or3A_385 = arith.ori %or3A_384, %ne3A_383 : i1
        %or3A_386 = arith.ori %or3A_385, %eq3A_154 : i1
        %add3A_387 = arith.constant 1 : i32
        %add3A_388 = arith.addi %scan3A_145, %add3A_387 : i32
        %select_n3A_389 = arith.select %or3A_386, %add3A_388, %scan3A_145 : i32
        %add3A_390 = arith.constant 1 : i32
        %add3A_391 = arith.addi %scan3A_150, %add3A_390 : i32
        %select_n3A_392 = arith.constant true
        %select_n3A_393 = arith.select %select_n3A_392, %add3A_391, %scan3A_150 : i32
        %eq3A_394 = arith.constant 256 : i32
        %eq3A_395 = arith.cmpi eq, %select_n3A_393, %eq3A_394 : i32
        %select_n3A_396 = arith.constant 0 : i32
        %select_n3A_397 = arith.select %eq3A_395, %select_n3A_396, %select_n3A_393 : i32
        scf.yield %select_n3A_191, %select_n3A_389, %select_n3A_325, %select_n3A_366, %select_n3A_339, %select_n3A_382, %select_n3A_397 : i32, i32, i32, i32, i32, i32, i32
      }
      %scan3A_72 = arith.constant 256 : i32
      %sub3A = arith.constant 1 : i32
      %sub3A_73 = arith.subi %scan3A_71#6, %sub3A : i32
      %select_n3A_74 = arith.constant true
      %select_n3A_75 = arith.select %select_n3A_74, %sub3A_73, %scan3A_71#6 : i32
      %eq3A_76 = arith.constant -1 : i32
      %eq3A_77 = arith.cmpi eq, %select_n3A_75, %eq3A_76 : i32
      %select_n3A_78 = arith.constant 255 : i32
      %select_n3A_79 = arith.select %eq3A_77, %select_n3A_78, %select_n3A_75 : i32
      %add3A_80 = arith.addi %select_n3A_79, %mul3A_6 : i32
      %sub3A_81 = arith.constant 1 : i32
      %sub3A_82 = arith.subi %select_n3A_79, %sub3A_81 : i32
      %select_n3A_83 = arith.constant true
      %select_n3A_84 = arith.select %select_n3A_83, %sub3A_82, %select_n3A_79 : i32
      %eq3A_85 = arith.constant -1 : i32
      %eq3A_86 = arith.cmpi eq, %select_n3A_84, %eq3A_85 : i32
      %select_n3A_87 = arith.constant 255 : i32
      %select_n3A_88 = arith.select %eq3A_86, %select_n3A_87, %select_n3A_84 : i32
      %add3A_89 = arith.addi %select_n3A_88, %mul3A_6 : i32
      %add3A_90 = arith.constant 1 : i32
      %add3A_91 = arith.addi %select_n3A_79, %add3A_90 : i32
      %select_n3A_92 = arith.constant true
      %select_n3A_93 = arith.select %select_n3A_92, %add3A_91, %select_n3A_79 : i32
      %eq3A_94 = arith.constant 256 : i32
      %eq3A_95 = arith.cmpi eq, %select_n3A_93, %eq3A_94 : i32
      %select_n3A_96 = arith.constant 0 : i32
      %select_n3A_97 = arith.select %eq3A_95, %select_n3A_96, %select_n3A_93 : i32
      %add3A_98 = arith.addi %select_n3A_97, %mul3A_6 : i32
      %add3A_99 = arith.constant 1 : i32
      %add3A_100 = arith.addi %select_n3A_97, %add3A_99 : i32
      %select_n3A_101 = arith.constant true
      %select_n3A_102 = arith.select %select_n3A_101, %add3A_100, %select_n3A_97 : i32
      %eq3A_103 = arith.constant 256 : i32
      %eq3A_104 = arith.cmpi eq, %select_n3A_102, %eq3A_103 : i32
      %select_n3A_105 = arith.constant 0 : i32
      %select_n3A_106 = arith.select %eq3A_104, %select_n3A_105, %select_n3A_102 : i32
      %add3A_107 = arith.addi %select_n3A_106, %mul3A_6 : i32
      "tpu.trace_start"() <{level = 10 : i32, message = "ep_finalize"}> : () -> ()
      %rem3A_108 = arith.constant 2 : i32
      %rem3A_109 = arith.remui %scan3A_71#3, %rem3A_108 : i32
      %mul3A_110 = arith.constant 128 : i32
      %mul3A_111 = arith.muli %mul3A_110, %add3A_80 : i32
      %dma_wait3A = arith.constant 0 : i32
      %dma_wait3A_112 = arith.constant 0 : i32
      %dma_wait3A_113 = tpu.memref_slice %run_scoped3A_8[%rem3A_109, %dma_wait3A, %dma_wait3A_112] : memref<2x128x16xf32, #tpu.memory_space<vmem>> -> memref<1x128x16xf32, #tpu.memory_space<vmem>>
      %dma_wait3A_114 = tpu.memref_squeeze %dma_wait3A_113 : memref<1x128x16xf32, #tpu.memory_space<vmem>> -> memref<128x16xf32, #tpu.memory_space<vmem>>
      %dma_wait3A_115 = arith.constant 0 : i32
      %dma_wait3A_116 = tpu.memref_slice %arg5[%mul3A_111, %dma_wait3A_115] : memref<1048576x16xf32, #tpu.memory_space<hbm>> -> memref<128x16xf32, #tpu.memory_space<hbm>>
      %dma_wait3A_117 = tpu.memref_slice %run_scoped3A_9[%rem3A_109] : memref<2x!tpu.dma_semaphore, #tpu.memory_space<semaphore_mem>> -> memref<1x!tpu.dma_semaphore, #tpu.memory_space<semaphore_mem>>
      %dma_wait3A_118 = tpu.memref_squeeze %dma_wait3A_117 : memref<1x!tpu.dma_semaphore, #tpu.memory_space<semaphore_mem>> -> memref<!tpu.dma_semaphore, #tpu.memory_space<semaphore_mem>>
      %dma_wait3A_119 = arith.constant 0 : i32
      %dma_wait3A_120 = tpu.memref_slice %arg5[%mul3A_111, %dma_wait3A_119] : memref<1048576x16xf32, #tpu.memory_space<hbm>> -> memref<128x16xf32, #tpu.memory_space<hbm>>
      %dma_wait3A_121 = arith.constant 0 : i32
      %dma_wait3A_122 = arith.constant 0 : i32
      %dma_wait3A_123 = tpu.memref_slice %run_scoped3A_8[%rem3A_109, %dma_wait3A_121, %dma_wait3A_122] : memref<2x128x16xf32, #tpu.memory_space<vmem>> -> memref<1x128x16xf32, #tpu.memory_space<vmem>>
      %dma_wait3A_124 = tpu.memref_squeeze %dma_wait3A_123 : memref<1x128x16xf32, #tpu.memory_space<vmem>> -> memref<128x16xf32, #tpu.memory_space<vmem>>
      tpu.wait_dma2 semaphore(%dma_wait3A_118 : memref<!tpu.dma_semaphore, #tpu.memory_space<semaphore_mem>>) src(%dma_wait3A_124 : memref<128x16xf32, #tpu.memory_space<vmem>>) dst(%dma_wait3A_120 : memref<128x16xf32, #tpu.memory_space<hbm>>)
      %rem3A_125 = arith.constant 2 : i32
      %rem3A_126 = arith.remui %scan3A_71#5, %rem3A_125 : i32
      %mul3A_127 = arith.constant 128 : i32
      %mul3A_128 = arith.muli %mul3A_127, %add3A_80 : i32
      %dma_wait3A_129 = arith.constant 0 : i32
      %dma_wait3A_130 = arith.constant 0 : i32
      %dma_wait3A_131 = tpu.memref_slice %run_scoped3A_10[%rem3A_126, %dma_wait3A_129, %dma_wait3A_130] : memref<2x128x16xf32, #tpu.memory_space<vmem>> -> memref<1x128x16xf32, #tpu.memory_space<vmem>>
      %dma_wait3A_132 = tpu.memref_squeeze %dma_wait3A_131 : memref<1x128x16xf32, #tpu.memory_space<vmem>> -> memref<128x16xf32, #tpu.memory_space<vmem>>
      %dma_wait3A_133 = arith.constant 0 : i32
      %dma_wait3A_134 = tpu.memref_slice %arg6[%mul3A_128, %dma_wait3A_133] : memref<1048576x16xf32, #tpu.memory_space<hbm>> -> memref<128x16xf32, #tpu.memory_space<hbm>>
      %dma_wait3A_135 = tpu.memref_slice %run_scoped3A_11[%rem3A_126] : memref<2x!tpu.dma_semaphore, #tpu.memory_space<semaphore_mem>> -> memref<1x!tpu.dma_semaphore, #tpu.memory_space<semaphore_mem>>
      %dma_wait3A_136 = tpu.memref_squeeze %dma_wait3A_135 : memref<1x!tpu.dma_semaphore, #tpu.memory_space<semaphore_mem>> -> memref<!tpu.dma_semaphore, #tpu.memory_space<semaphore_mem>>
      %dma_wait3A_137 = arith.constant 0 : i32
      %dma_wait3A_138 = tpu.memref_slice %arg6[%mul3A_128, %dma_wait3A_137] : memref<1048576x16xf32, #tpu.memory_space<hbm>> -> memref<128x16xf32, #tpu.memory_space<hbm>>
      %dma_wait3A_139 = arith.constant 0 : i32
      %dma_wait3A_140 = arith.constant 0 : i32
      %dma_wait3A_141 = tpu.memref_slice %run_scoped3A_10[%rem3A_126, %dma_wait3A_139, %dma_wait3A_140] : memref<2x128x16xf32, #tpu.memory_space<vmem>> -> memref<1x128x16xf32, #tpu.memory_space<vmem>>
      %dma_wait3A_142 = tpu.memref_squeeze %dma_wait3A_141 : memref<1x128x16xf32, #tpu.memory_space<vmem>> -> memref<128x16xf32, #tpu.memory_space<vmem>>
      tpu.wait_dma2 semaphore(%dma_wait3A_136 : memref<!tpu.dma_semaphore, #tpu.memory_space<semaphore_mem>>) src(%dma_wait3A_142 : memref<128x16xf32, #tpu.memory_space<vmem>>) dst(%dma_wait3A_138 : memref<128x16xf32, #tpu.memory_space<hbm>>)
      "tpu.trace_stop"() : () -> ()
      tpu.yield
    }) : () -> ()
    return
  }
}

module attributes {stable_mosaic.version = 14 : i64} {
  func.func @tc_body(%arg0: i32, %arg1: memref<4096x128xf32, #tpu.memory_space<vmem>>, %arg2: memref<4096x128xf32, #tpu.memory_space<vmem>>, %arg3: memref<2x8x1x4096xi32, #tpu.memory_space<vmem>>, %arg4: memref<8x34x4096xf32, #tpu.memory_space<vmem>>) attributes {dimension_semantics = [#tpu.dimension_semantics<arbitrary>], iteration_bounds = array<i64: 32>, scalar_prefetch = 0 : i64, scratch_operands = 0 : i64, tpu.core_type = #tpu.core_type<tc>, window_params = [{transform_indices = @transform_0, window_bounds = array<i64: 4096, 128>}, {transform_indices = @transform_1, window_bounds = array<i64: 4096, 128>}, {transform_indices = @transform_2, window_bounds = array<i64: 2, 8, 1, 4096>}, {transform_indices = @transform_3, window_bounds = array<i64: 8, 34, 4096>}]} {
    %get3A = arith.constant 0 : index
    %get3A_0 = arith.constant 0 : index
    %get3A_1 = vector.load %arg1[%get3A, %get3A_0] : memref<4096x128xf32, #tpu.memory_space<vmem>>, vector<4096x128xf32>
    %transpose3A = tpu.transpose %get3A_1, [1, 0] : vector<4096x128xf32> -> vector<128x4096xf32>
    %get3A_2 = arith.constant 0 : index
    %get3A_3 = arith.constant 0 : index
    %get3A_4 = vector.load %arg2[%get3A_2, %get3A_3] : memref<4096x128xf32, #tpu.memory_space<vmem>>, vector<4096x128xf32>
    %transpose3A_5 = tpu.transpose %get3A_4, [1, 0] : vector<4096x128xf32> -> vector<128x4096xf32>
    %slice3A = vector.extract_strided_slice %transpose3A {offsets = [0, 0], sizes = [16, 512], strides = [1, 1]} : vector<128x4096xf32> to vector<16x512xf32>
    %swap3A = arith.constant 0 : index
    %swap3A_6 = arith.constant 0 : index
    %swap3A_7 = arith.constant 0 : index
    %swap3A_8 = vector.load %arg4[%swap3A, %swap3A_6, %swap3A_7] : memref<8x34x4096xf32, #tpu.memory_space<vmem>>, vector<1x16x512xf32>
    %swap3A_9 = vector.shape_cast %swap3A_8 : vector<1x16x512xf32> to vector<16x512xf32>
    %swap3A_10 = vector.shape_cast %slice3A : vector<16x512xf32> to vector<1x16x512xf32>
    tpu.vector_store %arg4[%swap3A, %swap3A_6, %swap3A_7], %swap3A_10 {strides = array<i32>} : memref<8x34x4096xf32, #tpu.memory_space<vmem>>, vector<1x16x512xf32>,
    %slice3A_11 = vector.extract_strided_slice %transpose3A_5 {offsets = [0, 0], sizes = [16, 512], strides = [1, 1]} : vector<128x4096xf32> to vector<16x512xf32>
    %swap3A_12 = arith.constant 0 : index
    %swap3A_13 = arith.constant 16 : index
    %swap3A_14 = arith.constant 0 : index
    %swap3A_15 = vector.load %arg4[%swap3A_12, %swap3A_13, %swap3A_14] : memref<8x34x4096xf32, #tpu.memory_space<vmem>>, vector<1x16x512xf32>
    %swap3A_16 = vector.shape_cast %swap3A_15 : vector<1x16x512xf32> to vector<16x512xf32>
    %swap3A_17 = vector.shape_cast %slice3A_11 : vector<16x512xf32> to vector<1x16x512xf32>
    tpu.vector_store %arg4[%swap3A_12, %swap3A_13, %swap3A_14], %swap3A_17 {strides = array<i32>} : memref<8x34x4096xf32, #tpu.memory_space<vmem>>, vector<1x16x512xf32>,
    %slice3A_18 = vector.extract_strided_slice %transpose3A {offsets = [16, 0], sizes = [16, 512], strides = [1, 1]} : vector<128x4096xf32> to vector<16x512xf32>
    %swap3A_19 = arith.constant 0 : index
    %swap3A_20 = arith.constant 0 : index
    %swap3A_21 = arith.constant 512 : index
    %swap3A_22 = vector.load %arg4[%swap3A_19, %swap3A_20, %swap3A_21] : memref<8x34x4096xf32, #tpu.memory_space<vmem>>, vector<1x16x512xf32>
    %swap3A_23 = vector.shape_cast %swap3A_22 : vector<1x16x512xf32> to vector<16x512xf32>
    %swap3A_24 = vector.shape_cast %slice3A_18 : vector<16x512xf32> to vector<1x16x512xf32>
    tpu.vector_store %arg4[%swap3A_19, %swap3A_20, %swap3A_21], %swap3A_24 {strides = array<i32>} : memref<8x34x4096xf32, #tpu.memory_space<vmem>>, vector<1x16x512xf32>,
    %slice3A_25 = vector.extract_strided_slice %transpose3A_5 {offsets = [16, 0], sizes = [16, 512], strides = [1, 1]} : vector<128x4096xf32> to vector<16x512xf32>
    %swap3A_26 = arith.constant 0 : index
    %swap3A_27 = arith.constant 16 : index
    %swap3A_28 = arith.constant 512 : index
    %swap3A_29 = vector.load %arg4[%swap3A_26, %swap3A_27, %swap3A_28] : memref<8x34x4096xf32, #tpu.memory_space<vmem>>, vector<1x16x512xf32>
    %swap3A_30 = vector.shape_cast %swap3A_29 : vector<1x16x512xf32> to vector<16x512xf32>
    %swap3A_31 = vector.shape_cast %slice3A_25 : vector<16x512xf32> to vector<1x16x512xf32>
    tpu.vector_store %arg4[%swap3A_26, %swap3A_27, %swap3A_28], %swap3A_31 {strides = array<i32>} : memref<8x34x4096xf32, #tpu.memory_space<vmem>>, vector<1x16x512xf32>,
    %slice3A_32 = vector.extract_strided_slice %transpose3A {offsets = [32, 0], sizes = [16, 512], strides = [1, 1]} : vector<128x4096xf32> to vector<16x512xf32>
    %swap3A_33 = arith.constant 0 : index
    %swap3A_34 = arith.constant 0 : index
    %swap3A_35 = arith.constant 1024 : index
    %swap3A_36 = vector.load %arg4[%swap3A_33, %swap3A_34, %swap3A_35] : memref<8x34x4096xf32, #tpu.memory_space<vmem>>, vector<1x16x512xf32>
    %swap3A_37 = vector.shape_cast %swap3A_36 : vector<1x16x512xf32> to vector<16x512xf32>
    %swap3A_38 = vector.shape_cast %slice3A_32 : vector<16x512xf32> to vector<1x16x512xf32>
    tpu.vector_store %arg4[%swap3A_33, %swap3A_34, %swap3A_35], %swap3A_38 {strides = array<i32>} : memref<8x34x4096xf32, #tpu.memory_space<vmem>>, vector<1x16x512xf32>,
    %slice3A_39 = vector.extract_strided_slice %transpose3A_5 {offsets = [32, 0], sizes = [16, 512], strides = [1, 1]} : vector<128x4096xf32> to vector<16x512xf32>
    %swap3A_40 = arith.constant 0 : index
    %swap3A_41 = arith.constant 16 : index
    %swap3A_42 = arith.constant 1024 : index
    %swap3A_43 = vector.load %arg4[%swap3A_40, %swap3A_41, %swap3A_42] : memref<8x34x4096xf32, #tpu.memory_space<vmem>>, vector<1x16x512xf32>
    %swap3A_44 = vector.shape_cast %swap3A_43 : vector<1x16x512xf32> to vector<16x512xf32>
    %swap3A_45 = vector.shape_cast %slice3A_39 : vector<16x512xf32> to vector<1x16x512xf32>
    tpu.vector_store %arg4[%swap3A_40, %swap3A_41, %swap3A_42], %swap3A_45 {strides = array<i32>} : memref<8x34x4096xf32, #tpu.memory_space<vmem>>, vector<1x16x512xf32>,
    %slice3A_46 = vector.extract_strided_slice %transpose3A {offsets = [48, 0], sizes = [16, 512], strides = [1, 1]} : vector<128x4096xf32> to vector<16x512xf32>
    %swap3A_47 = arith.constant 0 : index
    %swap3A_48 = arith.constant 0 : index
    %swap3A_49 = arith.constant 1536 : index
    %swap3A_50 = vector.load %arg4[%swap3A_47, %swap3A_48, %swap3A_49] : memref<8x34x4096xf32, #tpu.memory_space<vmem>>, vector<1x16x512xf32>
    %swap3A_51 = vector.shape_cast %swap3A_50 : vector<1x16x512xf32> to vector<16x512xf32>
    %swap3A_52 = vector.shape_cast %slice3A_46 : vector<16x512xf32> to vector<1x16x512xf32>
    tpu.vector_store %arg4[%swap3A_47, %swap3A_48, %swap3A_49], %swap3A_52 {strides = array<i32>} : memref<8x34x4096xf32, #tpu.memory_space<vmem>>, vector<1x16x512xf32>,
    %slice3A_53 = vector.extract_strided_slice %transpose3A_5 {offsets = [48, 0], sizes = [16, 512], strides = [1, 1]} : vector<128x4096xf32> to vector<16x512xf32>
    %swap3A_54 = arith.constant 0 : index
    %swap3A_55 = arith.constant 16 : index
    %swap3A_56 = arith.constant 1536 : index
    %swap3A_57 = vector.load %arg4[%swap3A_54, %swap3A_55, %swap3A_56] : memref<8x34x4096xf32, #tpu.memory_space<vmem>>, vector<1x16x512xf32>
    %swap3A_58 = vector.shape_cast %swap3A_57 : vector<1x16x512xf32> to vector<16x512xf32>
    %swap3A_59 = vector.shape_cast %slice3A_53 : vector<16x512xf32> to vector<1x16x512xf32>
    tpu.vector_store %arg4[%swap3A_54, %swap3A_55, %swap3A_56], %swap3A_59 {strides = array<i32>} : memref<8x34x4096xf32, #tpu.memory_space<vmem>>, vector<1x16x512xf32>,
    %slice3A_60 = vector.extract_strided_slice %transpose3A {offsets = [64, 0], sizes = [16, 512], strides = [1, 1]} : vector<128x4096xf32> to vector<16x512xf32>
    %swap3A_61 = arith.constant 0 : index
    %swap3A_62 = arith.constant 0 : index
    %swap3A_63 = arith.constant 2048 : index
    %swap3A_64 = vector.load %arg4[%swap3A_61, %swap3A_62, %swap3A_63] : memref<8x34x4096xf32, #tpu.memory_space<vmem>>, vector<1x16x512xf32>
    %swap3A_65 = vector.shape_cast %swap3A_64 : vector<1x16x512xf32> to vector<16x512xf32>
    %swap3A_66 = vector.shape_cast %slice3A_60 : vector<16x512xf32> to vector<1x16x512xf32>
    tpu.vector_store %arg4[%swap3A_61, %swap3A_62, %swap3A_63], %swap3A_66 {strides = array<i32>} : memref<8x34x4096xf32, #tpu.memory_space<vmem>>, vector<1x16x512xf32>,
    %slice3A_67 = vector.extract_strided_slice %transpose3A_5 {offsets = [64, 0], sizes = [16, 512], strides = [1, 1]} : vector<128x4096xf32> to vector<16x512xf32>
    %swap3A_68 = arith.constant 0 : index
    %swap3A_69 = arith.constant 16 : index
    %swap3A_70 = arith.constant 2048 : index
    %swap3A_71 = vector.load %arg4[%swap3A_68, %swap3A_69, %swap3A_70] : memref<8x34x4096xf32, #tpu.memory_space<vmem>>, vector<1x16x512xf32>
    %swap3A_72 = vector.shape_cast %swap3A_71 : vector<1x16x512xf32> to vector<16x512xf32>
    %swap3A_73 = vector.shape_cast %slice3A_67 : vector<16x512xf32> to vector<1x16x512xf32>
    tpu.vector_store %arg4[%swap3A_68, %swap3A_69, %swap3A_70], %swap3A_73 {strides = array<i32>} : memref<8x34x4096xf32, #tpu.memory_space<vmem>>, vector<1x16x512xf32>,
    %slice3A_74 = vector.extract_strided_slice %transpose3A {offsets = [80, 0], sizes = [16, 512], strides = [1, 1]} : vector<128x4096xf32> to vector<16x512xf32>
    %swap3A_75 = arith.constant 0 : index
    %swap3A_76 = arith.constant 0 : index
    %swap3A_77 = arith.constant 2560 : index
    %swap3A_78 = vector.load %arg4[%swap3A_75, %swap3A_76, %swap3A_77] : memref<8x34x4096xf32, #tpu.memory_space<vmem>>, vector<1x16x512xf32>
    %swap3A_79 = vector.shape_cast %swap3A_78 : vector<1x16x512xf32> to vector<16x512xf32>
    %swap3A_80 = vector.shape_cast %slice3A_74 : vector<16x512xf32> to vector<1x16x512xf32>
    tpu.vector_store %arg4[%swap3A_75, %swap3A_76, %swap3A_77], %swap3A_80 {strides = array<i32>} : memref<8x34x4096xf32, #tpu.memory_space<vmem>>, vector<1x16x512xf32>,
    %slice3A_81 = vector.extract_strided_slice %transpose3A_5 {offsets = [80, 0], sizes = [16, 512], strides = [1, 1]} : vector<128x4096xf32> to vector<16x512xf32>
    %swap3A_82 = arith.constant 0 : index
    %swap3A_83 = arith.constant 16 : index
    %swap3A_84 = arith.constant 2560 : index
    %swap3A_85 = vector.load %arg4[%swap3A_82, %swap3A_83, %swap3A_84] : memref<8x34x4096xf32, #tpu.memory_space<vmem>>, vector<1x16x512xf32>
    %swap3A_86 = vector.shape_cast %swap3A_85 : vector<1x16x512xf32> to vector<16x512xf32>
    %swap3A_87 = vector.shape_cast %slice3A_81 : vector<16x512xf32> to vector<1x16x512xf32>
    tpu.vector_store %arg4[%swap3A_82, %swap3A_83, %swap3A_84], %swap3A_87 {strides = array<i32>} : memref<8x34x4096xf32, #tpu.memory_space<vmem>>, vector<1x16x512xf32>,
    %slice3A_88 = vector.extract_strided_slice %transpose3A {offsets = [96, 0], sizes = [16, 512], strides = [1, 1]} : vector<128x4096xf32> to vector<16x512xf32>
    %swap3A_89 = arith.constant 0 : index
    %swap3A_90 = arith.constant 0 : index
    %swap3A_91 = arith.constant 3072 : index
    %swap3A_92 = vector.load %arg4[%swap3A_89, %swap3A_90, %swap3A_91] : memref<8x34x4096xf32, #tpu.memory_space<vmem>>, vector<1x16x512xf32>
    %swap3A_93 = vector.shape_cast %swap3A_92 : vector<1x16x512xf32> to vector<16x512xf32>
    %swap3A_94 = vector.shape_cast %slice3A_88 : vector<16x512xf32> to vector<1x16x512xf32>
    tpu.vector_store %arg4[%swap3A_89, %swap3A_90, %swap3A_91], %swap3A_94 {strides = array<i32>} : memref<8x34x4096xf32, #tpu.memory_space<vmem>>, vector<1x16x512xf32>,
    %slice3A_95 = vector.extract_strided_slice %transpose3A_5 {offsets = [96, 0], sizes = [16, 512], strides = [1, 1]} : vector<128x4096xf32> to vector<16x512xf32>
    %swap3A_96 = arith.constant 0 : index
    %swap3A_97 = arith.constant 16 : index
    %swap3A_98 = arith.constant 3072 : index
    %swap3A_99 = vector.load %arg4[%swap3A_96, %swap3A_97, %swap3A_98] : memref<8x34x4096xf32, #tpu.memory_space<vmem>>, vector<1x16x512xf32>
    %swap3A_100 = vector.shape_cast %swap3A_99 : vector<1x16x512xf32> to vector<16x512xf32>
    %swap3A_101 = vector.shape_cast %slice3A_95 : vector<16x512xf32> to vector<1x16x512xf32>
    tpu.vector_store %arg4[%swap3A_96, %swap3A_97, %swap3A_98], %swap3A_101 {strides = array<i32>} : memref<8x34x4096xf32, #tpu.memory_space<vmem>>, vector<1x16x512xf32>,
    %slice3A_102 = vector.extract_strided_slice %transpose3A {offsets = [112, 0], sizes = [16, 512], strides = [1, 1]} : vector<128x4096xf32> to vector<16x512xf32>
    %swap3A_103 = arith.constant 0 : index
    %swap3A_104 = arith.constant 0 : index
    %swap3A_105 = arith.constant 3584 : index
    %swap3A_106 = vector.load %arg4[%swap3A_103, %swap3A_104, %swap3A_105] : memref<8x34x4096xf32, #tpu.memory_space<vmem>>, vector<1x16x512xf32>
    %swap3A_107 = vector.shape_cast %swap3A_106 : vector<1x16x512xf32> to vector<16x512xf32>
    %swap3A_108 = vector.shape_cast %slice3A_102 : vector<16x512xf32> to vector<1x16x512xf32>
    tpu.vector_store %arg4[%swap3A_103, %swap3A_104, %swap3A_105], %swap3A_108 {strides = array<i32>} : memref<8x34x4096xf32, #tpu.memory_space<vmem>>, vector<1x16x512xf32>,
    %slice3A_109 = vector.extract_strided_slice %transpose3A_5 {offsets = [112, 0], sizes = [16, 512], strides = [1, 1]} : vector<128x4096xf32> to vector<16x512xf32>
    %swap3A_110 = arith.constant 0 : index
    %swap3A_111 = arith.constant 16 : index
    %swap3A_112 = arith.constant 3584 : index
    %swap3A_113 = vector.load %arg4[%swap3A_110, %swap3A_111, %swap3A_112] : memref<8x34x4096xf32, #tpu.memory_space<vmem>>, vector<1x16x512xf32>
    %swap3A_114 = vector.shape_cast %swap3A_113 : vector<1x16x512xf32> to vector<16x512xf32>
    %swap3A_115 = vector.shape_cast %slice3A_109 : vector<16x512xf32> to vector<1x16x512xf32>
    tpu.vector_store %arg4[%swap3A_110, %swap3A_111, %swap3A_112], %swap3A_115 {strides = array<i32>} : memref<8x34x4096xf32, #tpu.memory_space<vmem>>, vector<1x16x512xf32>,
    %get3A_116 = arith.constant 0 : index
    %get3A_117 = arith.constant 0 : index
    %get3A_118 = arith.constant 0 : index
    %get3A_119 = arith.constant 0 : index
    %get3A_120 = vector.load %arg3[%get3A_116, %get3A_117, %get3A_118, %get3A_119] : memref<2x8x1x4096xi32, #tpu.memory_space<vmem>>, vector<1x1x1x4096xi32>
    %get3A_121 = vector.shape_cast %get3A_120 : vector<1x1x1x4096xi32> to vector<4096xi32>
    %convert_element_type3A = arith.sitofp %get3A_121 : vector<4096xi32> to vector<4096xf32>
    %mul3A = arith.constant 1.000010e-05 : f32
    %mul3A_122 = vector.broadcast %mul3A : f32 to vector<4096xf32>
    %mul3A_123 = arith.mulf %convert_element_type3A, %mul3A_122 : vector<4096xf32>
    %swap3A_124 = arith.constant 0 : index
    %swap3A_125 = arith.constant 32 : index
    %swap3A_126 = arith.constant 0 : index
    %swap3A_127 = vector.load %arg4[%swap3A_124, %swap3A_125, %swap3A_126] : memref<8x34x4096xf32, #tpu.memory_space<vmem>>, vector<1x1x4096xf32>
    %swap3A_128 = vector.shape_cast %swap3A_127 : vector<1x1x4096xf32> to vector<4096xf32>
    %swap3A_129 = vector.shape_cast %mul3A_123 : vector<4096xf32> to vector<1x1x4096xf32>
    tpu.vector_store %arg4[%swap3A_124, %swap3A_125, %swap3A_126], %swap3A_129 {strides = array<i32>} : memref<8x34x4096xf32, #tpu.memory_space<vmem>>, vector<1x1x4096xf32>,
    %get3A_130 = arith.constant 1 : index
    %get3A_131 = arith.constant 0 : index
    %get3A_132 = arith.constant 0 : index
    %get3A_133 = arith.constant 0 : index
    %get3A_134 = vector.load %arg3[%get3A_130, %get3A_131, %get3A_132, %get3A_133] : memref<2x8x1x4096xi32, #tpu.memory_space<vmem>>, vector<1x1x1x4096xi32>
    %get3A_135 = vector.shape_cast %get3A_134 : vector<1x1x1x4096xi32> to vector<4096xi32>
    %and3A = arith.constant 1 : i32
    %and3A_136 = vector.broadcast %and3A : i32 to vector<4096xi32>
    %and3A_137 = arith.andi %get3A_135, %and3A_136 : vector<4096xi32>
    %convert_element_type3A_138 = arith.sitofp %and3A_137 : vector<4096xi32> to vector<4096xf32>
    %swap3A_139 = arith.constant 0 : index
    %swap3A_140 = arith.constant 33 : index
    %swap3A_141 = arith.constant 0 : index
    %swap3A_142 = vector.load %arg4[%swap3A_139, %swap3A_140, %swap3A_141] : memref<8x34x4096xf32, #tpu.memory_space<vmem>>, vector<1x1x4096xf32>
    %swap3A_143 = vector.shape_cast %swap3A_142 : vector<1x1x4096xf32> to vector<4096xf32>
    %swap3A_144 = vector.shape_cast %convert_element_type3A_138 : vector<4096xf32> to vector<1x1x4096xf32>
    tpu.vector_store %arg4[%swap3A_139, %swap3A_140, %swap3A_141], %swap3A_144 {strides = array<i32>} : memref<8x34x4096xf32, #tpu.memory_space<vmem>>, vector<1x1x4096xf32>,
    %slice3A_145 = vector.extract_strided_slice %transpose3A {offsets = [0, 512], sizes = [16, 512], strides = [1, 1]} : vector<128x4096xf32> to vector<16x512xf32>
    %swap3A_146 = arith.constant 1 : index
    %swap3A_147 = arith.constant 0 : index
    %swap3A_148 = arith.constant 0 : index
    %swap3A_149 = vector.load %arg4[%swap3A_146, %swap3A_147, %swap3A_148] : memref<8x34x4096xf32, #tpu.memory_space<vmem>>, vector<1x16x512xf32>
    %swap3A_150 = vector.shape_cast %swap3A_149 : vector<1x16x512xf32> to vector<16x512xf32>
    %swap3A_151 = vector.shape_cast %slice3A_145 : vector<16x512xf32> to vector<1x16x512xf32>
    tpu.vector_store %arg4[%swap3A_146, %swap3A_147, %swap3A_148], %swap3A_151 {strides = array<i32>} : memref<8x34x4096xf32, #tpu.memory_space<vmem>>, vector<1x16x512xf32>,
    %slice3A_152 = vector.extract_strided_slice %transpose3A_5 {offsets = [0, 512], sizes = [16, 512], strides = [1, 1]} : vector<128x4096xf32> to vector<16x512xf32>
    %swap3A_153 = arith.constant 1 : index
    %swap3A_154 = arith.constant 16 : index
    %swap3A_155 = arith.constant 0 : index
    %swap3A_156 = vector.load %arg4[%swap3A_153, %swap3A_154, %swap3A_155] : memref<8x34x4096xf32, #tpu.memory_space<vmem>>, vector<1x16x512xf32>
    %swap3A_157 = vector.shape_cast %swap3A_156 : vector<1x16x512xf32> to vector<16x512xf32>
    %swap3A_158 = vector.shape_cast %slice3A_152 : vector<16x512xf32> to vector<1x16x512xf32>
    tpu.vector_store %arg4[%swap3A_153, %swap3A_154, %swap3A_155], %swap3A_158 {strides = array<i32>} : memref<8x34x4096xf32, #tpu.memory_space<vmem>>, vector<1x16x512xf32>,
    %slice3A_159 = vector.extract_strided_slice %transpose3A {offsets = [16, 512], sizes = [16, 512], strides = [1, 1]} : vector<128x4096xf32> to vector<16x512xf32>
    %swap3A_160 = arith.constant 1 : index
    %swap3A_161 = arith.constant 0 : index
    %swap3A_162 = arith.constant 512 : index
    %swap3A_163 = vector.load %arg4[%swap3A_160, %swap3A_161, %swap3A_162] : memref<8x34x4096xf32, #tpu.memory_space<vmem>>, vector<1x16x512xf32>
    %swap3A_164 = vector.shape_cast %swap3A_163 : vector<1x16x512xf32> to vector<16x512xf32>
    %swap3A_165 = vector.shape_cast %slice3A_159 : vector<16x512xf32> to vector<1x16x512xf32>
    tpu.vector_store %arg4[%swap3A_160, %swap3A_161, %swap3A_162], %swap3A_165 {strides = array<i32>} : memref<8x34x4096xf32, #tpu.memory_space<vmem>>, vector<1x16x512xf32>,
    %slice3A_166 = vector.extract_strided_slice %transpose3A_5 {offsets = [16, 512], sizes = [16, 512], strides = [1, 1]} : vector<128x4096xf32> to vector<16x512xf32>
    %swap3A_167 = arith.constant 1 : index
    %swap3A_168 = arith.constant 16 : index
    %swap3A_169 = arith.constant 512 : index
    %swap3A_170 = vector.load %arg4[%swap3A_167, %swap3A_168, %swap3A_169] : memref<8x34x4096xf32, #tpu.memory_space<vmem>>, vector<1x16x512xf32>
    %swap3A_171 = vector.shape_cast %swap3A_170 : vector<1x16x512xf32> to vector<16x512xf32>
    %swap3A_172 = vector.shape_cast %slice3A_166 : vector<16x512xf32> to vector<1x16x512xf32>
    tpu.vector_store %arg4[%swap3A_167, %swap3A_168, %swap3A_169], %swap3A_172 {strides = array<i32>} : memref<8x34x4096xf32, #tpu.memory_space<vmem>>, vector<1x16x512xf32>,
    %slice3A_173 = vector.extract_strided_slice %transpose3A {offsets = [32, 512], sizes = [16, 512], strides = [1, 1]} : vector<128x4096xf32> to vector<16x512xf32>
    %swap3A_174 = arith.constant 1 : index
    %swap3A_175 = arith.constant 0 : index
    %swap3A_176 = arith.constant 1024 : index
    %swap3A_177 = vector.load %arg4[%swap3A_174, %swap3A_175, %swap3A_176] : memref<8x34x4096xf32, #tpu.memory_space<vmem>>, vector<1x16x512xf32>
    %swap3A_178 = vector.shape_cast %swap3A_177 : vector<1x16x512xf32> to vector<16x512xf32>
    %swap3A_179 = vector.shape_cast %slice3A_173 : vector<16x512xf32> to vector<1x16x512xf32>
    tpu.vector_store %arg4[%swap3A_174, %swap3A_175, %swap3A_176], %swap3A_179 {strides = array<i32>} : memref<8x34x4096xf32, #tpu.memory_space<vmem>>, vector<1x16x512xf32>,
    %slice3A_180 = vector.extract_strided_slice %transpose3A_5 {offsets = [32, 512], sizes = [16, 512], strides = [1, 1]} : vector<128x4096xf32> to vector<16x512xf32>
    %swap3A_181 = arith.constant 1 : index
    %swap3A_182 = arith.constant 16 : index
    %swap3A_183 = arith.constant 1024 : index
    %swap3A_184 = vector.load %arg4[%swap3A_181, %swap3A_182, %swap3A_183] : memref<8x34x4096xf32, #tpu.memory_space<vmem>>, vector<1x16x512xf32>
    %swap3A_185 = vector.shape_cast %swap3A_184 : vector<1x16x512xf32> to vector<16x512xf32>
    %swap3A_186 = vector.shape_cast %slice3A_180 : vector<16x512xf32> to vector<1x16x512xf32>
    tpu.vector_store %arg4[%swap3A_181, %swap3A_182, %swap3A_183], %swap3A_186 {strides = array<i32>} : memref<8x34x4096xf32, #tpu.memory_space<vmem>>, vector<1x16x512xf32>,
    %slice3A_187 = vector.extract_strided_slice %transpose3A {offsets = [48, 512], sizes = [16, 512], strides = [1, 1]} : vector<128x4096xf32> to vector<16x512xf32>
    %swap3A_188 = arith.constant 1 : index
    %swap3A_189 = arith.constant 0 : index
    %swap3A_190 = arith.constant 1536 : index
    %swap3A_191 = vector.load %arg4[%swap3A_188, %swap3A_189, %swap3A_190] : memref<8x34x4096xf32, #tpu.memory_space<vmem>>, vector<1x16x512xf32>
    %swap3A_192 = vector.shape_cast %swap3A_191 : vector<1x16x512xf32> to vector<16x512xf32>
    %swap3A_193 = vector.shape_cast %slice3A_187 : vector<16x512xf32> to vector<1x16x512xf32>
    tpu.vector_store %arg4[%swap3A_188, %swap3A_189, %swap3A_190], %swap3A_193 {strides = array<i32>} : memref<8x34x4096xf32, #tpu.memory_space<vmem>>, vector<1x16x512xf32>,
    %slice3A_194 = vector.extract_strided_slice %transpose3A_5 {offsets = [48, 512], sizes = [16, 512], strides = [1, 1]} : vector<128x4096xf32> to vector<16x512xf32>
    %swap3A_195 = arith.constant 1 : index
    %swap3A_196 = arith.constant 16 : index
    %swap3A_197 = arith.constant 1536 : index
    %swap3A_198 = vector.load %arg4[%swap3A_195, %swap3A_196, %swap3A_197] : memref<8x34x4096xf32, #tpu.memory_space<vmem>>, vector<1x16x512xf32>
    %swap3A_199 = vector.shape_cast %swap3A_198 : vector<1x16x512xf32> to vector<16x512xf32>
    %swap3A_200 = vector.shape_cast %slice3A_194 : vector<16x512xf32> to vector<1x16x512xf32>
    tpu.vector_store %arg4[%swap3A_195, %swap3A_196, %swap3A_197], %swap3A_200 {strides = array<i32>} : memref<8x34x4096xf32, #tpu.memory_space<vmem>>, vector<1x16x512xf32>,
    %slice3A_201 = vector.extract_strided_slice %transpose3A {offsets = [64, 512], sizes = [16, 512], strides = [1, 1]} : vector<128x4096xf32> to vector<16x512xf32>
    %swap3A_202 = arith.constant 1 : index
    %swap3A_203 = arith.constant 0 : index
    %swap3A_204 = arith.constant 2048 : index
    %swap3A_205 = vector.load %arg4[%swap3A_202, %swap3A_203, %swap3A_204] : memref<8x34x4096xf32, #tpu.memory_space<vmem>>, vector<1x16x512xf32>
    %swap3A_206 = vector.shape_cast %swap3A_205 : vector<1x16x512xf32> to vector<16x512xf32>
    %swap3A_207 = vector.shape_cast %slice3A_201 : vector<16x512xf32> to vector<1x16x512xf32>
    tpu.vector_store %arg4[%swap3A_202, %swap3A_203, %swap3A_204], %swap3A_207 {strides = array<i32>} : memref<8x34x4096xf32, #tpu.memory_space<vmem>>, vector<1x16x512xf32>,
    %slice3A_208 = vector.extract_strided_slice %transpose3A_5 {offsets = [64, 512], sizes = [16, 512], strides = [1, 1]} : vector<128x4096xf32> to vector<16x512xf32>
    %swap3A_209 = arith.constant 1 : index
    %swap3A_210 = arith.constant 16 : index
    %swap3A_211 = arith.constant 2048 : index
    %swap3A_212 = vector.load %arg4[%swap3A_209, %swap3A_210, %swap3A_211] : memref<8x34x4096xf32, #tpu.memory_space<vmem>>, vector<1x16x512xf32>
    %swap3A_213 = vector.shape_cast %swap3A_212 : vector<1x16x512xf32> to vector<16x512xf32>
    %swap3A_214 = vector.shape_cast %slice3A_208 : vector<16x512xf32> to vector<1x16x512xf32>
    tpu.vector_store %arg4[%swap3A_209, %swap3A_210, %swap3A_211], %swap3A_214 {strides = array<i32>} : memref<8x34x4096xf32, #tpu.memory_space<vmem>>, vector<1x16x512xf32>,
    %slice3A_215 = vector.extract_strided_slice %transpose3A {offsets = [80, 512], sizes = [16, 512], strides = [1, 1]} : vector<128x4096xf32> to vector<16x512xf32>
    %swap3A_216 = arith.constant 1 : index
    %swap3A_217 = arith.constant 0 : index
    %swap3A_218 = arith.constant 2560 : index
    %swap3A_219 = vector.load %arg4[%swap3A_216, %swap3A_217, %swap3A_218] : memref<8x34x4096xf32, #tpu.memory_space<vmem>>, vector<1x16x512xf32>
    %swap3A_220 = vector.shape_cast %swap3A_219 : vector<1x16x512xf32> to vector<16x512xf32>
    %swap3A_221 = vector.shape_cast %slice3A_215 : vector<16x512xf32> to vector<1x16x512xf32>
    tpu.vector_store %arg4[%swap3A_216, %swap3A_217, %swap3A_218], %swap3A_221 {strides = array<i32>} : memref<8x34x4096xf32, #tpu.memory_space<vmem>>, vector<1x16x512xf32>,
    %slice3A_222 = vector.extract_strided_slice %transpose3A_5 {offsets = [80, 512], sizes = [16, 512], strides = [1, 1]} : vector<128x4096xf32> to vector<16x512xf32>
    %swap3A_223 = arith.constant 1 : index
    %swap3A_224 = arith.constant 16 : index
    %swap3A_225 = arith.constant 2560 : index
    %swap3A_226 = vector.load %arg4[%swap3A_223, %swap3A_224, %swap3A_225] : memref<8x34x4096xf32, #tpu.memory_space<vmem>>, vector<1x16x512xf32>
    %swap3A_227 = vector.shape_cast %swap3A_226 : vector<1x16x512xf32> to vector<16x512xf32>
    %swap3A_228 = vector.shape_cast %slice3A_222 : vector<16x512xf32> to vector<1x16x512xf32>
    tpu.vector_store %arg4[%swap3A_223, %swap3A_224, %swap3A_225], %swap3A_228 {strides = array<i32>} : memref<8x34x4096xf32, #tpu.memory_space<vmem>>, vector<1x16x512xf32>,
    %slice3A_229 = vector.extract_strided_slice %transpose3A {offsets = [96, 512], sizes = [16, 512], strides = [1, 1]} : vector<128x4096xf32> to vector<16x512xf32>
    %swap3A_230 = arith.constant 1 : index
    %swap3A_231 = arith.constant 0 : index
    %swap3A_232 = arith.constant 3072 : index
    %swap3A_233 = vector.load %arg4[%swap3A_230, %swap3A_231, %swap3A_232] : memref<8x34x4096xf32, #tpu.memory_space<vmem>>, vector<1x16x512xf32>
    %swap3A_234 = vector.shape_cast %swap3A_233 : vector<1x16x512xf32> to vector<16x512xf32>
    %swap3A_235 = vector.shape_cast %slice3A_229 : vector<16x512xf32> to vector<1x16x512xf32>
    tpu.vector_store %arg4[%swap3A_230, %swap3A_231, %swap3A_232], %swap3A_235 {strides = array<i32>} : memref<8x34x4096xf32, #tpu.memory_space<vmem>>, vector<1x16x512xf32>,
    %slice3A_236 = vector.extract_strided_slice %transpose3A_5 {offsets = [96, 512], sizes = [16, 512], strides = [1, 1]} : vector<128x4096xf32> to vector<16x512xf32>
    %swap3A_237 = arith.constant 1 : index
    %swap3A_238 = arith.constant 16 : index
    %swap3A_239 = arith.constant 3072 : index
    %swap3A_240 = vector.load %arg4[%swap3A_237, %swap3A_238, %swap3A_239] : memref<8x34x4096xf32, #tpu.memory_space<vmem>>, vector<1x16x512xf32>
    %swap3A_241 = vector.shape_cast %swap3A_240 : vector<1x16x512xf32> to vector<16x512xf32>
    %swap3A_242 = vector.shape_cast %slice3A_236 : vector<16x512xf32> to vector<1x16x512xf32>
    tpu.vector_store %arg4[%swap3A_237, %swap3A_238, %swap3A_239], %swap3A_242 {strides = array<i32>} : memref<8x34x4096xf32, #tpu.memory_space<vmem>>, vector<1x16x512xf32>,
    %slice3A_243 = vector.extract_strided_slice %transpose3A {offsets = [112, 512], sizes = [16, 512], strides = [1, 1]} : vector<128x4096xf32> to vector<16x512xf32>
    %swap3A_244 = arith.constant 1 : index
    %swap3A_245 = arith.constant 0 : index
    %swap3A_246 = arith.constant 3584 : index
    %swap3A_247 = vector.load %arg4[%swap3A_244, %swap3A_245, %swap3A_246] : memref<8x34x4096xf32, #tpu.memory_space<vmem>>, vector<1x16x512xf32>
    %swap3A_248 = vector.shape_cast %swap3A_247 : vector<1x16x512xf32> to vector<16x512xf32>
    %swap3A_249 = vector.shape_cast %slice3A_243 : vector<16x512xf32> to vector<1x16x512xf32>
    tpu.vector_store %arg4[%swap3A_244, %swap3A_245, %swap3A_246], %swap3A_249 {strides = array<i32>} : memref<8x34x4096xf32, #tpu.memory_space<vmem>>, vector<1x16x512xf32>,
    %slice3A_250 = vector.extract_strided_slice %transpose3A_5 {offsets = [112, 512], sizes = [16, 512], strides = [1, 1]} : vector<128x4096xf32> to vector<16x512xf32>
    %swap3A_251 = arith.constant 1 : index
    %swap3A_252 = arith.constant 16 : index
    %swap3A_253 = arith.constant 3584 : index
    %swap3A_254 = vector.load %arg4[%swap3A_251, %swap3A_252, %swap3A_253] : memref<8x34x4096xf32, #tpu.memory_space<vmem>>, vector<1x16x512xf32>
    %swap3A_255 = vector.shape_cast %swap3A_254 : vector<1x16x512xf32> to vector<16x512xf32>
    %swap3A_256 = vector.shape_cast %slice3A_250 : vector<16x512xf32> to vector<1x16x512xf32>
    tpu.vector_store %arg4[%swap3A_251, %swap3A_252, %swap3A_253], %swap3A_256 {strides = array<i32>} : memref<8x34x4096xf32, #tpu.memory_space<vmem>>, vector<1x16x512xf32>,
    %get3A_257 = arith.constant 0 : index
    %get3A_258 = arith.constant 1 : index
    %get3A_259 = arith.constant 0 : index
    %get3A_260 = arith.constant 0 : index
    %get3A_261 = vector.load %arg3[%get3A_257, %get3A_258, %get3A_259, %get3A_260] : memref<2x8x1x4096xi32, #tpu.memory_space<vmem>>, vector<1x1x1x4096xi32>
    %get3A_262 = vector.shape_cast %get3A_261 : vector<1x1x1x4096xi32> to vector<4096xi32>
    %convert_element_type3A_263 = arith.sitofp %get3A_262 : vector<4096xi32> to vector<4096xf32>
    %mul3A_264 = arith.constant 1.000010e-05 : f32
    %mul3A_265 = vector.broadcast %mul3A_264 : f32 to vector<4096xf32>
    %mul3A_266 = arith.mulf %convert_element_type3A_263, %mul3A_265 : vector<4096xf32>
    %swap3A_267 = arith.constant 1 : index
    %swap3A_268 = arith.constant 32 : index
    %swap3A_269 = arith.constant 0 : index
    %swap3A_270 = vector.load %arg4[%swap3A_267, %swap3A_268, %swap3A_269] : memref<8x34x4096xf32, #tpu.memory_space<vmem>>, vector<1x1x4096xf32>
    %swap3A_271 = vector.shape_cast %swap3A_270 : vector<1x1x4096xf32> to vector<4096xf32>
    %swap3A_272 = vector.shape_cast %mul3A_266 : vector<4096xf32> to vector<1x1x4096xf32>
    tpu.vector_store %arg4[%swap3A_267, %swap3A_268, %swap3A_269], %swap3A_272 {strides = array<i32>} : memref<8x34x4096xf32, #tpu.memory_space<vmem>>, vector<1x1x4096xf32>,
    %get3A_273 = arith.constant 1 : index
    %get3A_274 = arith.constant 1 : index
    %get3A_275 = arith.constant 0 : index
    %get3A_276 = arith.constant 0 : index
    %get3A_277 = vector.load %arg3[%get3A_273, %get3A_274, %get3A_275, %get3A_276] : memref<2x8x1x4096xi32, #tpu.memory_space<vmem>>, vector<1x1x1x4096xi32>
    %get3A_278 = vector.shape_cast %get3A_277 : vector<1x1x1x4096xi32> to vector<4096xi32>
    %and3A_279 = arith.constant 1 : i32
    %and3A_280 = vector.broadcast %and3A_279 : i32 to vector<4096xi32>
    %and3A_281 = arith.andi %get3A_278, %and3A_280 : vector<4096xi32>
    %convert_element_type3A_282 = arith.sitofp %and3A_281 : vector<4096xi32> to vector<4096xf32>
    %swap3A_283 = arith.constant 1 : index
    %swap3A_284 = arith.constant 33 : index
    %swap3A_285 = arith.constant 0 : index
    %swap3A_286 = vector.load %arg4[%swap3A_283, %swap3A_284, %swap3A_285] : memref<8x34x4096xf32, #tpu.memory_space<vmem>>, vector<1x1x4096xf32>
    %swap3A_287 = vector.shape_cast %swap3A_286 : vector<1x1x4096xf32> to vector<4096xf32>
    %swap3A_288 = vector.shape_cast %convert_element_type3A_282 : vector<4096xf32> to vector<1x1x4096xf32>
    tpu.vector_store %arg4[%swap3A_283, %swap3A_284, %swap3A_285], %swap3A_288 {strides = array<i32>} : memref<8x34x4096xf32, #tpu.memory_space<vmem>>, vector<1x1x4096xf32>,
    %slice3A_289 = vector.extract_strided_slice %transpose3A {offsets = [0, 1024], sizes = [16, 512], strides = [1, 1]} : vector<128x4096xf32> to vector<16x512xf32>
    %swap3A_290 = arith.constant 2 : index
    %swap3A_291 = arith.constant 0 : index
    %swap3A_292 = arith.constant 0 : index
    %swap3A_293 = vector.load %arg4[%swap3A_290, %swap3A_291, %swap3A_292] : memref<8x34x4096xf32, #tpu.memory_space<vmem>>, vector<1x16x512xf32>
    %swap3A_294 = vector.shape_cast %swap3A_293 : vector<1x16x512xf32> to vector<16x512xf32>
    %swap3A_295 = vector.shape_cast %slice3A_289 : vector<16x512xf32> to vector<1x16x512xf32>
    tpu.vector_store %arg4[%swap3A_290, %swap3A_291, %swap3A_292], %swap3A_295 {strides = array<i32>} : memref<8x34x4096xf32, #tpu.memory_space<vmem>>, vector<1x16x512xf32>,
    %slice3A_296 = vector.extract_strided_slice %transpose3A_5 {offsets = [0, 1024], sizes = [16, 512], strides = [1, 1]} : vector<128x4096xf32> to vector<16x512xf32>
    %swap3A_297 = arith.constant 2 : index
    %swap3A_298 = arith.constant 16 : index
    %swap3A_299 = arith.constant 0 : index
    %swap3A_300 = vector.load %arg4[%swap3A_297, %swap3A_298, %swap3A_299] : memref<8x34x4096xf32, #tpu.memory_space<vmem>>, vector<1x16x512xf32>
    %swap3A_301 = vector.shape_cast %swap3A_300 : vector<1x16x512xf32> to vector<16x512xf32>
    %swap3A_302 = vector.shape_cast %slice3A_296 : vector<16x512xf32> to vector<1x16x512xf32>
    tpu.vector_store %arg4[%swap3A_297, %swap3A_298, %swap3A_299], %swap3A_302 {strides = array<i32>} : memref<8x34x4096xf32, #tpu.memory_space<vmem>>, vector<1x16x512xf32>,
    %slice3A_303 = vector.extract_strided_slice %transpose3A {offsets = [16, 1024], sizes = [16, 512], strides = [1, 1]} : vector<128x4096xf32> to vector<16x512xf32>
    %swap3A_304 = arith.constant 2 : index
    %swap3A_305 = arith.constant 0 : index
    %swap3A_306 = arith.constant 512 : index
    %swap3A_307 = vector.load %arg4[%swap3A_304, %swap3A_305, %swap3A_306] : memref<8x34x4096xf32, #tpu.memory_space<vmem>>, vector<1x16x512xf32>
    %swap3A_308 = vector.shape_cast %swap3A_307 : vector<1x16x512xf32> to vector<16x512xf32>
    %swap3A_309 = vector.shape_cast %slice3A_303 : vector<16x512xf32> to vector<1x16x512xf32>
    tpu.vector_store %arg4[%swap3A_304, %swap3A_305, %swap3A_306], %swap3A_309 {strides = array<i32>} : memref<8x34x4096xf32, #tpu.memory_space<vmem>>, vector<1x16x512xf32>,
    %slice3A_310 = vector.extract_strided_slice %transpose3A_5 {offsets = [16, 1024], sizes = [16, 512], strides = [1, 1]} : vector<128x4096xf32> to vector<16x512xf32>
    %swap3A_311 = arith.constant 2 : index
    %swap3A_312 = arith.constant 16 : index
    %swap3A_313 = arith.constant 512 : index
    %swap3A_314 = vector.load %arg4[%swap3A_311, %swap3A_312, %swap3A_313] : memref<8x34x4096xf32, #tpu.memory_space<vmem>>, vector<1x16x512xf32>
    %swap3A_315 = vector.shape_cast %swap3A_314 : vector<1x16x512xf32> to vector<16x512xf32>
    %swap3A_316 = vector.shape_cast %slice3A_310 : vector<16x512xf32> to vector<1x16x512xf32>
    tpu.vector_store %arg4[%swap3A_311, %swap3A_312, %swap3A_313], %swap3A_316 {strides = array<i32>} : memref<8x34x4096xf32, #tpu.memory_space<vmem>>, vector<1x16x512xf32>,
    %slice3A_317 = vector.extract_strided_slice %transpose3A {offsets = [32, 1024], sizes = [16, 512], strides = [1, 1]} : vector<128x4096xf32> to vector<16x512xf32>
    %swap3A_318 = arith.constant 2 : index
    %swap3A_319 = arith.constant 0 : index
    %swap3A_320 = arith.constant 1024 : index
    %swap3A_321 = vector.load %arg4[%swap3A_318, %swap3A_319, %swap3A_320] : memref<8x34x4096xf32, #tpu.memory_space<vmem>>, vector<1x16x512xf32>
    %swap3A_322 = vector.shape_cast %swap3A_321 : vector<1x16x512xf32> to vector<16x512xf32>
    %swap3A_323 = vector.shape_cast %slice3A_317 : vector<16x512xf32> to vector<1x16x512xf32>
    tpu.vector_store %arg4[%swap3A_318, %swap3A_319, %swap3A_320], %swap3A_323 {strides = array<i32>} : memref<8x34x4096xf32, #tpu.memory_space<vmem>>, vector<1x16x512xf32>,
    %slice3A_324 = vector.extract_strided_slice %transpose3A_5 {offsets = [32, 1024], sizes = [16, 512], strides = [1, 1]} : vector<128x4096xf32> to vector<16x512xf32>
    %swap3A_325 = arith.constant 2 : index
    %swap3A_326 = arith.constant 16 : index
    %swap3A_327 = arith.constant 1024 : index
    %swap3A_328 = vector.load %arg4[%swap3A_325, %swap3A_326, %swap3A_327] : memref<8x34x4096xf32, #tpu.memory_space<vmem>>, vector<1x16x512xf32>
    %swap3A_329 = vector.shape_cast %swap3A_328 : vector<1x16x512xf32> to vector<16x512xf32>
    %swap3A_330 = vector.shape_cast %slice3A_324 : vector<16x512xf32> to vector<1x16x512xf32>
    tpu.vector_store %arg4[%swap3A_325, %swap3A_326, %swap3A_327], %swap3A_330 {strides = array<i32>} : memref<8x34x4096xf32, #tpu.memory_space<vmem>>, vector<1x16x512xf32>,
    %slice3A_331 = vector.extract_strided_slice %transpose3A {offsets = [48, 1024], sizes = [16, 512], strides = [1, 1]} : vector<128x4096xf32> to vector<16x512xf32>
    %swap3A_332 = arith.constant 2 : index
    %swap3A_333 = arith.constant 0 : index
    %swap3A_334 = arith.constant 1536 : index
    %swap3A_335 = vector.load %arg4[%swap3A_332, %swap3A_333, %swap3A_334] : memref<8x34x4096xf32, #tpu.memory_space<vmem>>, vector<1x16x512xf32>
    %swap3A_336 = vector.shape_cast %swap3A_335 : vector<1x16x512xf32> to vector<16x512xf32>
    %swap3A_337 = vector.shape_cast %slice3A_331 : vector<16x512xf32> to vector<1x16x512xf32>
    tpu.vector_store %arg4[%swap3A_332, %swap3A_333, %swap3A_334], %swap3A_337 {strides = array<i32>} : memref<8x34x4096xf32, #tpu.memory_space<vmem>>, vector<1x16x512xf32>,
    %slice3A_338 = vector.extract_strided_slice %transpose3A_5 {offsets = [48, 1024], sizes = [16, 512], strides = [1, 1]} : vector<128x4096xf32> to vector<16x512xf32>
    %swap3A_339 = arith.constant 2 : index
    %swap3A_340 = arith.constant 16 : index
    %swap3A_341 = arith.constant 1536 : index
    %swap3A_342 = vector.load %arg4[%swap3A_339, %swap3A_340, %swap3A_341] : memref<8x34x4096xf32, #tpu.memory_space<vmem>>, vector<1x16x512xf32>
    %swap3A_343 = vector.shape_cast %swap3A_342 : vector<1x16x512xf32> to vector<16x512xf32>
    %swap3A_344 = vector.shape_cast %slice3A_338 : vector<16x512xf32> to vector<1x16x512xf32>
    tpu.vector_store %arg4[%swap3A_339, %swap3A_340, %swap3A_341], %swap3A_344 {strides = array<i32>} : memref<8x34x4096xf32, #tpu.memory_space<vmem>>, vector<1x16x512xf32>,
    %slice3A_345 = vector.extract_strided_slice %transpose3A {offsets = [64, 1024], sizes = [16, 512], strides = [1, 1]} : vector<128x4096xf32> to vector<16x512xf32>
    %swap3A_346 = arith.constant 2 : index
    %swap3A_347 = arith.constant 0 : index
    %swap3A_348 = arith.constant 2048 : index
    %swap3A_349 = vector.load %arg4[%swap3A_346, %swap3A_347, %swap3A_348] : memref<8x34x4096xf32, #tpu.memory_space<vmem>>, vector<1x16x512xf32>
    %swap3A_350 = vector.shape_cast %swap3A_349 : vector<1x16x512xf32> to vector<16x512xf32>
    %swap3A_351 = vector.shape_cast %slice3A_345 : vector<16x512xf32> to vector<1x16x512xf32>
    tpu.vector_store %arg4[%swap3A_346, %swap3A_347, %swap3A_348], %swap3A_351 {strides = array<i32>} : memref<8x34x4096xf32, #tpu.memory_space<vmem>>, vector<1x16x512xf32>,
    %slice3A_352 = vector.extract_strided_slice %transpose3A_5 {offsets = [64, 1024], sizes = [16, 512], strides = [1, 1]} : vector<128x4096xf32> to vector<16x512xf32>
    %swap3A_353 = arith.constant 2 : index
    %swap3A_354 = arith.constant 16 : index
    %swap3A_355 = arith.constant 2048 : index
    %swap3A_356 = vector.load %arg4[%swap3A_353, %swap3A_354, %swap3A_355] : memref<8x34x4096xf32, #tpu.memory_space<vmem>>, vector<1x16x512xf32>
    %swap3A_357 = vector.shape_cast %swap3A_356 : vector<1x16x512xf32> to vector<16x512xf32>
    %swap3A_358 = vector.shape_cast %slice3A_352 : vector<16x512xf32> to vector<1x16x512xf32>
    tpu.vector_store %arg4[%swap3A_353, %swap3A_354, %swap3A_355], %swap3A_358 {strides = array<i32>} : memref<8x34x4096xf32, #tpu.memory_space<vmem>>, vector<1x16x512xf32>,
    %slice3A_359 = vector.extract_strided_slice %transpose3A {offsets = [80, 1024], sizes = [16, 512], strides = [1, 1]} : vector<128x4096xf32> to vector<16x512xf32>
    %swap3A_360 = arith.constant 2 : index
    %swap3A_361 = arith.constant 0 : index
    %swap3A_362 = arith.constant 2560 : index
    %swap3A_363 = vector.load %arg4[%swap3A_360, %swap3A_361, %swap3A_362] : memref<8x34x4096xf32, #tpu.memory_space<vmem>>, vector<1x16x512xf32>
    %swap3A_364 = vector.shape_cast %swap3A_363 : vector<1x16x512xf32> to vector<16x512xf32>
    %swap3A_365 = vector.shape_cast %slice3A_359 : vector<16x512xf32> to vector<1x16x512xf32>
    tpu.vector_store %arg4[%swap3A_360, %swap3A_361, %swap3A_362], %swap3A_365 {strides = array<i32>} : memref<8x34x4096xf32, #tpu.memory_space<vmem>>, vector<1x16x512xf32>,
    %slice3A_366 = vector.extract_strided_slice %transpose3A_5 {offsets = [80, 1024], sizes = [16, 512], strides = [1, 1]} : vector<128x4096xf32> to vector<16x512xf32>
    %swap3A_367 = arith.constant 2 : index
    %swap3A_368 = arith.constant 16 : index
    %swap3A_369 = arith.constant 2560 : index
    %swap3A_370 = vector.load %arg4[%swap3A_367, %swap3A_368, %swap3A_369] : memref<8x34x4096xf32, #tpu.memory_space<vmem>>, vector<1x16x512xf32>
    %swap3A_371 = vector.shape_cast %swap3A_370 : vector<1x16x512xf32> to vector<16x512xf32>
    %swap3A_372 = vector.shape_cast %slice3A_366 : vector<16x512xf32> to vector<1x16x512xf32>
    tpu.vector_store %arg4[%swap3A_367, %swap3A_368, %swap3A_369], %swap3A_372 {strides = array<i32>} : memref<8x34x4096xf32, #tpu.memory_space<vmem>>, vector<1x16x512xf32>,
    %slice3A_373 = vector.extract_strided_slice %transpose3A {offsets = [96, 1024], sizes = [16, 512], strides = [1, 1]} : vector<128x4096xf32> to vector<16x512xf32>
    %swap3A_374 = arith.constant 2 : index
    %swap3A_375 = arith.constant 0 : index
    %swap3A_376 = arith.constant 3072 : index
    %swap3A_377 = vector.load %arg4[%swap3A_374, %swap3A_375, %swap3A_376] : memref<8x34x4096xf32, #tpu.memory_space<vmem>>, vector<1x16x512xf32>
    %swap3A_378 = vector.shape_cast %swap3A_377 : vector<1x16x512xf32> to vector<16x512xf32>
    %swap3A_379 = vector.shape_cast %slice3A_373 : vector<16x512xf32> to vector<1x16x512xf32>
    tpu.vector_store %arg4[%swap3A_374, %swap3A_375, %swap3A_376], %swap3A_379 {strides = array<i32>} : memref<8x34x4096xf32, #tpu.memory_space<vmem>>, vector<1x16x512xf32>,
    %slice3A_380 = vector.extract_strided_slice %transpose3A_5 {offsets = [96, 1024], sizes = [16, 512], strides = [1, 1]} : vector<128x4096xf32> to vector<16x512xf32>
    %swap3A_381 = arith.constant 2 : index
    %swap3A_382 = arith.constant 16 : index
    %swap3A_383 = arith.constant 3072 : index
    %swap3A_384 = vector.load %arg4[%swap3A_381, %swap3A_382, %swap3A_383] : memref<8x34x4096xf32, #tpu.memory_space<vmem>>, vector<1x16x512xf32>
    %swap3A_385 = vector.shape_cast %swap3A_384 : vector<1x16x512xf32> to vector<16x512xf32>
    %swap3A_386 = vector.shape_cast %slice3A_380 : vector<16x512xf32> to vector<1x16x512xf32>
    tpu.vector_store %arg4[%swap3A_381, %swap3A_382, %swap3A_383], %swap3A_386 {strides = array<i32>} : memref<8x34x4096xf32, #tpu.memory_space<vmem>>, vector<1x16x512xf32>,
    %slice3A_387 = vector.extract_strided_slice %transpose3A {offsets = [112, 1024], sizes = [16, 512], strides = [1, 1]} : vector<128x4096xf32> to vector<16x512xf32>
    %swap3A_388 = arith.constant 2 : index
    %swap3A_389 = arith.constant 0 : index
    %swap3A_390 = arith.constant 3584 : index
    %swap3A_391 = vector.load %arg4[%swap3A_388, %swap3A_389, %swap3A_390] : memref<8x34x4096xf32, #tpu.memory_space<vmem>>, vector<1x16x512xf32>
    %swap3A_392 = vector.shape_cast %swap3A_391 : vector<1x16x512xf32> to vector<16x512xf32>
    %swap3A_393 = vector.shape_cast %slice3A_387 : vector<16x512xf32> to vector<1x16x512xf32>
    tpu.vector_store %arg4[%swap3A_388, %swap3A_389, %swap3A_390], %swap3A_393 {strides = array<i32>} : memref<8x34x4096xf32, #tpu.memory_space<vmem>>, vector<1x16x512xf32>,
    %slice3A_394 = vector.extract_strided_slice %transpose3A_5 {offsets = [112, 1024], sizes = [16, 512], strides = [1, 1]} : vector<128x4096xf32> to vector<16x512xf32>
    %swap3A_395 = arith.constant 2 : index
    %swap3A_396 = arith.constant 16 : index
    %swap3A_397 = arith.constant 3584 : index
    %swap3A_398 = vector.load %arg4[%swap3A_395, %swap3A_396, %swap3A_397] : memref<8x34x4096xf32, #tpu.memory_space<vmem>>, vector<1x16x512xf32>
    %swap3A_399 = vector.shape_cast %swap3A_398 : vector<1x16x512xf32> to vector<16x512xf32>
    %swap3A_400 = vector.shape_cast %slice3A_394 : vector<16x512xf32> to vector<1x16x512xf32>
    tpu.vector_store %arg4[%swap3A_395, %swap3A_396, %swap3A_397], %swap3A_400 {strides = array<i32>} : memref<8x34x4096xf32, #tpu.memory_space<vmem>>, vector<1x16x512xf32>,
    %get3A_401 = arith.constant 0 : index
    %get3A_402 = arith.constant 2 : index
    %get3A_403 = arith.constant 0 : index
    %get3A_404 = arith.constant 0 : index
    %get3A_405 = vector.load %arg3[%get3A_401, %get3A_402, %get3A_403, %get3A_404] : memref<2x8x1x4096xi32, #tpu.memory_space<vmem>>, vector<1x1x1x4096xi32>
    %get3A_406 = vector.shape_cast %get3A_405 : vector<1x1x1x4096xi32> to vector<4096xi32>
    %convert_element_type3A_407 = arith.sitofp %get3A_406 : vector<4096xi32> to vector<4096xf32>
    %mul3A_408 = arith.constant 1.000010e-05 : f32
    %mul3A_409 = vector.broadcast %mul3A_408 : f32 to vector<4096xf32>
    %mul3A_410 = arith.mulf %convert_element_type3A_407, %mul3A_409 : vector<4096xf32>
    %swap3A_411 = arith.constant 2 : index
    %swap3A_412 = arith.constant 32 : index
    %swap3A_413 = arith.constant 0 : index
    %swap3A_414 = vector.load %arg4[%swap3A_411, %swap3A_412, %swap3A_413] : memref<8x34x4096xf32, #tpu.memory_space<vmem>>, vector<1x1x4096xf32>
    %swap3A_415 = vector.shape_cast %swap3A_414 : vector<1x1x4096xf32> to vector<4096xf32>
    %swap3A_416 = vector.shape_cast %mul3A_410 : vector<4096xf32> to vector<1x1x4096xf32>
    tpu.vector_store %arg4[%swap3A_411, %swap3A_412, %swap3A_413], %swap3A_416 {strides = array<i32>} : memref<8x34x4096xf32, #tpu.memory_space<vmem>>, vector<1x1x4096xf32>,
    %get3A_417 = arith.constant 1 : index
    %get3A_418 = arith.constant 2 : index
    %get3A_419 = arith.constant 0 : index
    %get3A_420 = arith.constant 0 : index
    %get3A_421 = vector.load %arg3[%get3A_417, %get3A_418, %get3A_419, %get3A_420] : memref<2x8x1x4096xi32, #tpu.memory_space<vmem>>, vector<1x1x1x4096xi32>
    %get3A_422 = vector.shape_cast %get3A_421 : vector<1x1x1x4096xi32> to vector<4096xi32>
    %and3A_423 = arith.constant 1 : i32
    %and3A_424 = vector.broadcast %and3A_423 : i32 to vector<4096xi32>
    %and3A_425 = arith.andi %get3A_422, %and3A_424 : vector<4096xi32>
    %convert_element_type3A_426 = arith.sitofp %and3A_425 : vector<4096xi32> to vector<4096xf32>
    %swap3A_427 = arith.constant 2 : index
    %swap3A_428 = arith.constant 33 : index
    %swap3A_429 = arith.constant 0 : index
    %swap3A_430 = vector.load %arg4[%swap3A_427, %swap3A_428, %swap3A_429] : memref<8x34x4096xf32, #tpu.memory_space<vmem>>, vector<1x1x4096xf32>
    %swap3A_431 = vector.shape_cast %swap3A_430 : vector<1x1x4096xf32> to vector<4096xf32>
    %swap3A_432 = vector.shape_cast %convert_element_type3A_426 : vector<4096xf32> to vector<1x1x4096xf32>
    tpu.vector_store %arg4[%swap3A_427, %swap3A_428, %swap3A_429], %swap3A_432 {strides = array<i32>} : memref<8x34x4096xf32, #tpu.memory_space<vmem>>, vector<1x1x4096xf32>,
    %slice3A_433 = vector.extract_strided_slice %transpose3A {offsets = [0, 1536], sizes = [16, 512], strides = [1, 1]} : vector<128x4096xf32> to vector<16x512xf32>
    %swap3A_434 = arith.constant 3 : index
    %swap3A_435 = arith.constant 0 : index
    %swap3A_436 = arith.constant 0 : index
    %swap3A_437 = vector.load %arg4[%swap3A_434, %swap3A_435, %swap3A_436] : memref<8x34x4096xf32, #tpu.memory_space<vmem>>, vector<1x16x512xf32>
    %swap3A_438 = vector.shape_cast %swap3A_437 : vector<1x16x512xf32> to vector<16x512xf32>
    %swap3A_439 = vector.shape_cast %slice3A_433 : vector<16x512xf32> to vector<1x16x512xf32>
    tpu.vector_store %arg4[%swap3A_434, %swap3A_435, %swap3A_436], %swap3A_439 {strides = array<i32>} : memref<8x34x4096xf32, #tpu.memory_space<vmem>>, vector<1x16x512xf32>,
    %slice3A_440 = vector.extract_strided_slice %transpose3A_5 {offsets = [0, 1536], sizes = [16, 512], strides = [1, 1]} : vector<128x4096xf32> to vector<16x512xf32>
    %swap3A_441 = arith.constant 3 : index
    %swap3A_442 = arith.constant 16 : index
    %swap3A_443 = arith.constant 0 : index
    %swap3A_444 = vector.load %arg4[%swap3A_441, %swap3A_442, %swap3A_443] : memref<8x34x4096xf32, #tpu.memory_space<vmem>>, vector<1x16x512xf32>
    %swap3A_445 = vector.shape_cast %swap3A_444 : vector<1x16x512xf32> to vector<16x512xf32>
    %swap3A_446 = vector.shape_cast %slice3A_440 : vector<16x512xf32> to vector<1x16x512xf32>
    tpu.vector_store %arg4[%swap3A_441, %swap3A_442, %swap3A_443], %swap3A_446 {strides = array<i32>} : memref<8x34x4096xf32, #tpu.memory_space<vmem>>, vector<1x16x512xf32>,
    %slice3A_447 = vector.extract_strided_slice %transpose3A {offsets = [16, 1536], sizes = [16, 512], strides = [1, 1]} : vector<128x4096xf32> to vector<16x512xf32>
    %swap3A_448 = arith.constant 3 : index
    %swap3A_449 = arith.constant 0 : index
    %swap3A_450 = arith.constant 512 : index
    %swap3A_451 = vector.load %arg4[%swap3A_448, %swap3A_449, %swap3A_450] : memref<8x34x4096xf32, #tpu.memory_space<vmem>>, vector<1x16x512xf32>
    %swap3A_452 = vector.shape_cast %swap3A_451 : vector<1x16x512xf32> to vector<16x512xf32>
    %swap3A_453 = vector.shape_cast %slice3A_447 : vector<16x512xf32> to vector<1x16x512xf32>
    tpu.vector_store %arg4[%swap3A_448, %swap3A_449, %swap3A_450], %swap3A_453 {strides = array<i32>} : memref<8x34x4096xf32, #tpu.memory_space<vmem>>, vector<1x16x512xf32>,
    %slice3A_454 = vector.extract_strided_slice %transpose3A_5 {offsets = [16, 1536], sizes = [16, 512], strides = [1, 1]} : vector<128x4096xf32> to vector<16x512xf32>
    %swap3A_455 = arith.constant 3 : index
    %swap3A_456 = arith.constant 16 : index
    %swap3A_457 = arith.constant 512 : index
    %swap3A_458 = vector.load %arg4[%swap3A_455, %swap3A_456, %swap3A_457] : memref<8x34x4096xf32, #tpu.memory_space<vmem>>, vector<1x16x512xf32>
    %swap3A_459 = vector.shape_cast %swap3A_458 : vector<1x16x512xf32> to vector<16x512xf32>
    %swap3A_460 = vector.shape_cast %slice3A_454 : vector<16x512xf32> to vector<1x16x512xf32>
    tpu.vector_store %arg4[%swap3A_455, %swap3A_456, %swap3A_457], %swap3A_460 {strides = array<i32>} : memref<8x34x4096xf32, #tpu.memory_space<vmem>>, vector<1x16x512xf32>,
    %slice3A_461 = vector.extract_strided_slice %transpose3A {offsets = [32, 1536], sizes = [16, 512], strides = [1, 1]} : vector<128x4096xf32> to vector<16x512xf32>
    %swap3A_462 = arith.constant 3 : index
    %swap3A_463 = arith.constant 0 : index
    %swap3A_464 = arith.constant 1024 : index
    %swap3A_465 = vector.load %arg4[%swap3A_462, %swap3A_463, %swap3A_464] : memref<8x34x4096xf32, #tpu.memory_space<vmem>>, vector<1x16x512xf32>
    %swap3A_466 = vector.shape_cast %swap3A_465 : vector<1x16x512xf32> to vector<16x512xf32>
    %swap3A_467 = vector.shape_cast %slice3A_461 : vector<16x512xf32> to vector<1x16x512xf32>
    tpu.vector_store %arg4[%swap3A_462, %swap3A_463, %swap3A_464], %swap3A_467 {strides = array<i32>} : memref<8x34x4096xf32, #tpu.memory_space<vmem>>, vector<1x16x512xf32>,
    %slice3A_468 = vector.extract_strided_slice %transpose3A_5 {offsets = [32, 1536], sizes = [16, 512], strides = [1, 1]} : vector<128x4096xf32> to vector<16x512xf32>
    %swap3A_469 = arith.constant 3 : index
    %swap3A_470 = arith.constant 16 : index
    %swap3A_471 = arith.constant 1024 : index
    %swap3A_472 = vector.load %arg4[%swap3A_469, %swap3A_470, %swap3A_471] : memref<8x34x4096xf32, #tpu.memory_space<vmem>>, vector<1x16x512xf32>
    %swap3A_473 = vector.shape_cast %swap3A_472 : vector<1x16x512xf32> to vector<16x512xf32>
    %swap3A_474 = vector.shape_cast %slice3A_468 : vector<16x512xf32> to vector<1x16x512xf32>
    tpu.vector_store %arg4[%swap3A_469, %swap3A_470, %swap3A_471], %swap3A_474 {strides = array<i32>} : memref<8x34x4096xf32, #tpu.memory_space<vmem>>, vector<1x16x512xf32>,
    %slice3A_475 = vector.extract_strided_slice %transpose3A {offsets = [48, 1536], sizes = [16, 512], strides = [1, 1]} : vector<128x4096xf32> to vector<16x512xf32>
    %swap3A_476 = arith.constant 3 : index
    %swap3A_477 = arith.constant 0 : index
    %swap3A_478 = arith.constant 1536 : index
    %swap3A_479 = vector.load %arg4[%swap3A_476, %swap3A_477, %swap3A_478] : memref<8x34x4096xf32, #tpu.memory_space<vmem>>, vector<1x16x512xf32>
    %swap3A_480 = vector.shape_cast %swap3A_479 : vector<1x16x512xf32> to vector<16x512xf32>
    %swap3A_481 = vector.shape_cast %slice3A_475 : vector<16x512xf32> to vector<1x16x512xf32>
    tpu.vector_store %arg4[%swap3A_476, %swap3A_477, %swap3A_478], %swap3A_481 {strides = array<i32>} : memref<8x34x4096xf32, #tpu.memory_space<vmem>>, vector<1x16x512xf32>,
    %slice3A_482 = vector.extract_strided_slice %transpose3A_5 {offsets = [48, 1536], sizes = [16, 512], strides = [1, 1]} : vector<128x4096xf32> to vector<16x512xf32>
    %swap3A_483 = arith.constant 3 : index
    %swap3A_484 = arith.constant 16 : index
    %swap3A_485 = arith.constant 1536 : index
    %swap3A_486 = vector.load %arg4[%swap3A_483, %swap3A_484, %swap3A_485] : memref<8x34x4096xf32, #tpu.memory_space<vmem>>, vector<1x16x512xf32>
    %swap3A_487 = vector.shape_cast %swap3A_486 : vector<1x16x512xf32> to vector<16x512xf32>
    %swap3A_488 = vector.shape_cast %slice3A_482 : vector<16x512xf32> to vector<1x16x512xf32>
    tpu.vector_store %arg4[%swap3A_483, %swap3A_484, %swap3A_485], %swap3A_488 {strides = array<i32>} : memref<8x34x4096xf32, #tpu.memory_space<vmem>>, vector<1x16x512xf32>,
    %slice3A_489 = vector.extract_strided_slice %transpose3A {offsets = [64, 1536], sizes = [16, 512], strides = [1, 1]} : vector<128x4096xf32> to vector<16x512xf32>
    %swap3A_490 = arith.constant 3 : index
    %swap3A_491 = arith.constant 0 : index
    %swap3A_492 = arith.constant 2048 : index
    %swap3A_493 = vector.load %arg4[%swap3A_490, %swap3A_491, %swap3A_492] : memref<8x34x4096xf32, #tpu.memory_space<vmem>>, vector<1x16x512xf32>
    %swap3A_494 = vector.shape_cast %swap3A_493 : vector<1x16x512xf32> to vector<16x512xf32>
    %swap3A_495 = vector.shape_cast %slice3A_489 : vector<16x512xf32> to vector<1x16x512xf32>
    tpu.vector_store %arg4[%swap3A_490, %swap3A_491, %swap3A_492], %swap3A_495 {strides = array<i32>} : memref<8x34x4096xf32, #tpu.memory_space<vmem>>, vector<1x16x512xf32>,
    %slice3A_496 = vector.extract_strided_slice %transpose3A_5 {offsets = [64, 1536], sizes = [16, 512], strides = [1, 1]} : vector<128x4096xf32> to vector<16x512xf32>
    %swap3A_497 = arith.constant 3 : index
    %swap3A_498 = arith.constant 16 : index
    %swap3A_499 = arith.constant 2048 : index
    %swap3A_500 = vector.load %arg4[%swap3A_497, %swap3A_498, %swap3A_499] : memref<8x34x4096xf32, #tpu.memory_space<vmem>>, vector<1x16x512xf32>
    %swap3A_501 = vector.shape_cast %swap3A_500 : vector<1x16x512xf32> to vector<16x512xf32>
    %swap3A_502 = vector.shape_cast %slice3A_496 : vector<16x512xf32> to vector<1x16x512xf32>
    tpu.vector_store %arg4[%swap3A_497, %swap3A_498, %swap3A_499], %swap3A_502 {strides = array<i32>} : memref<8x34x4096xf32, #tpu.memory_space<vmem>>, vector<1x16x512xf32>,
    %slice3A_503 = vector.extract_strided_slice %transpose3A {offsets = [80, 1536], sizes = [16, 512], strides = [1, 1]} : vector<128x4096xf32> to vector<16x512xf32>
    %swap3A_504 = arith.constant 3 : index
    %swap3A_505 = arith.constant 0 : index
    %swap3A_506 = arith.constant 2560 : index
    %swap3A_507 = vector.load %arg4[%swap3A_504, %swap3A_505, %swap3A_506] : memref<8x34x4096xf32, #tpu.memory_space<vmem>>, vector<1x16x512xf32>
    %swap3A_508 = vector.shape_cast %swap3A_507 : vector<1x16x512xf32> to vector<16x512xf32>
    %swap3A_509 = vector.shape_cast %slice3A_503 : vector<16x512xf32> to vector<1x16x512xf32>
    tpu.vector_store %arg4[%swap3A_504, %swap3A_505, %swap3A_506], %swap3A_509 {strides = array<i32>} : memref<8x34x4096xf32, #tpu.memory_space<vmem>>, vector<1x16x512xf32>,
    %slice3A_510 = vector.extract_strided_slice %transpose3A_5 {offsets = [80, 1536], sizes = [16, 512], strides = [1, 1]} : vector<128x4096xf32> to vector<16x512xf32>
    %swap3A_511 = arith.constant 3 : index
    %swap3A_512 = arith.constant 16 : index
    %swap3A_513 = arith.constant 2560 : index
    %swap3A_514 = vector.load %arg4[%swap3A_511, %swap3A_512, %swap3A_513] : memref<8x34x4096xf32, #tpu.memory_space<vmem>>, vector<1x16x512xf32>
    %swap3A_515 = vector.shape_cast %swap3A_514 : vector<1x16x512xf32> to vector<16x512xf32>
    %swap3A_516 = vector.shape_cast %slice3A_510 : vector<16x512xf32> to vector<1x16x512xf32>
    tpu.vector_store %arg4[%swap3A_511, %swap3A_512, %swap3A_513], %swap3A_516 {strides = array<i32>} : memref<8x34x4096xf32, #tpu.memory_space<vmem>>, vector<1x16x512xf32>,
    %slice3A_517 = vector.extract_strided_slice %transpose3A {offsets = [96, 1536], sizes = [16, 512], strides = [1, 1]} : vector<128x4096xf32> to vector<16x512xf32>
    %swap3A_518 = arith.constant 3 : index
    %swap3A_519 = arith.constant 0 : index
    %swap3A_520 = arith.constant 3072 : index
    %swap3A_521 = vector.load %arg4[%swap3A_518, %swap3A_519, %swap3A_520] : memref<8x34x4096xf32, #tpu.memory_space<vmem>>, vector<1x16x512xf32>
    %swap3A_522 = vector.shape_cast %swap3A_521 : vector<1x16x512xf32> to vector<16x512xf32>
    %swap3A_523 = vector.shape_cast %slice3A_517 : vector<16x512xf32> to vector<1x16x512xf32>
    tpu.vector_store %arg4[%swap3A_518, %swap3A_519, %swap3A_520], %swap3A_523 {strides = array<i32>} : memref<8x34x4096xf32, #tpu.memory_space<vmem>>, vector<1x16x512xf32>,
    %slice3A_524 = vector.extract_strided_slice %transpose3A_5 {offsets = [96, 1536], sizes = [16, 512], strides = [1, 1]} : vector<128x4096xf32> to vector<16x512xf32>
    %swap3A_525 = arith.constant 3 : index
    %swap3A_526 = arith.constant 16 : index
    %swap3A_527 = arith.constant 3072 : index
    %swap3A_528 = vector.load %arg4[%swap3A_525, %swap3A_526, %swap3A_527] : memref<8x34x4096xf32, #tpu.memory_space<vmem>>, vector<1x16x512xf32>
    %swap3A_529 = vector.shape_cast %swap3A_528 : vector<1x16x512xf32> to vector<16x512xf32>
    %swap3A_530 = vector.shape_cast %slice3A_524 : vector<16x512xf32> to vector<1x16x512xf32>
    tpu.vector_store %arg4[%swap3A_525, %swap3A_526, %swap3A_527], %swap3A_530 {strides = array<i32>} : memref<8x34x4096xf32, #tpu.memory_space<vmem>>, vector<1x16x512xf32>,
    %slice3A_531 = vector.extract_strided_slice %transpose3A {offsets = [112, 1536], sizes = [16, 512], strides = [1, 1]} : vector<128x4096xf32> to vector<16x512xf32>
    %swap3A_532 = arith.constant 3 : index
    %swap3A_533 = arith.constant 0 : index
    %swap3A_534 = arith.constant 3584 : index
    %swap3A_535 = vector.load %arg4[%swap3A_532, %swap3A_533, %swap3A_534] : memref<8x34x4096xf32, #tpu.memory_space<vmem>>, vector<1x16x512xf32>
    %swap3A_536 = vector.shape_cast %swap3A_535 : vector<1x16x512xf32> to vector<16x512xf32>
    %swap3A_537 = vector.shape_cast %slice3A_531 : vector<16x512xf32> to vector<1x16x512xf32>
    tpu.vector_store %arg4[%swap3A_532, %swap3A_533, %swap3A_534], %swap3A_537 {strides = array<i32>} : memref<8x34x4096xf32, #tpu.memory_space<vmem>>, vector<1x16x512xf32>,
    %slice3A_538 = vector.extract_strided_slice %transpose3A_5 {offsets = [112, 1536], sizes = [16, 512], strides = [1, 1]} : vector<128x4096xf32> to vector<16x512xf32>
    %swap3A_539 = arith.constant 3 : index
    %swap3A_540 = arith.constant 16 : index
    %swap3A_541 = arith.constant 3584 : index
    %swap3A_542 = vector.load %arg4[%swap3A_539, %swap3A_540, %swap3A_541] : memref<8x34x4096xf32, #tpu.memory_space<vmem>>, vector<1x16x512xf32>
    %swap3A_543 = vector.shape_cast %swap3A_542 : vector<1x16x512xf32> to vector<16x512xf32>
    %swap3A_544 = vector.shape_cast %slice3A_538 : vector<16x512xf32> to vector<1x16x512xf32>
    tpu.vector_store %arg4[%swap3A_539, %swap3A_540, %swap3A_541], %swap3A_544 {strides = array<i32>} : memref<8x34x4096xf32, #tpu.memory_space<vmem>>, vector<1x16x512xf32>,
    %get3A_545 = arith.constant 0 : index
    %get3A_546 = arith.constant 3 : index
    %get3A_547 = arith.constant 0 : index
    %get3A_548 = arith.constant 0 : index
    %get3A_549 = vector.load %arg3[%get3A_545, %get3A_546, %get3A_547, %get3A_548] : memref<2x8x1x4096xi32, #tpu.memory_space<vmem>>, vector<1x1x1x4096xi32>
    %get3A_550 = vector.shape_cast %get3A_549 : vector<1x1x1x4096xi32> to vector<4096xi32>
    %convert_element_type3A_551 = arith.sitofp %get3A_550 : vector<4096xi32> to vector<4096xf32>
    %mul3A_552 = arith.constant 1.000010e-05 : f32
    %mul3A_553 = vector.broadcast %mul3A_552 : f32 to vector<4096xf32>
    %mul3A_554 = arith.mulf %convert_element_type3A_551, %mul3A_553 : vector<4096xf32>
    %swap3A_555 = arith.constant 3 : index
    %swap3A_556 = arith.constant 32 : index
    %swap3A_557 = arith.constant 0 : index
    %swap3A_558 = vector.load %arg4[%swap3A_555, %swap3A_556, %swap3A_557] : memref<8x34x4096xf32, #tpu.memory_space<vmem>>, vector<1x1x4096xf32>
    %swap3A_559 = vector.shape_cast %swap3A_558 : vector<1x1x4096xf32> to vector<4096xf32>
    %swap3A_560 = vector.shape_cast %mul3A_554 : vector<4096xf32> to vector<1x1x4096xf32>
    tpu.vector_store %arg4[%swap3A_555, %swap3A_556, %swap3A_557], %swap3A_560 {strides = array<i32>} : memref<8x34x4096xf32, #tpu.memory_space<vmem>>, vector<1x1x4096xf32>,
    %get3A_561 = arith.constant 1 : index
    %get3A_562 = arith.constant 3 : index
    %get3A_563 = arith.constant 0 : index
    %get3A_564 = arith.constant 0 : index
    %get3A_565 = vector.load %arg3[%get3A_561, %get3A_562, %get3A_563, %get3A_564] : memref<2x8x1x4096xi32, #tpu.memory_space<vmem>>, vector<1x1x1x4096xi32>
    %get3A_566 = vector.shape_cast %get3A_565 : vector<1x1x1x4096xi32> to vector<4096xi32>
    %and3A_567 = arith.constant 1 : i32
    %and3A_568 = vector.broadcast %and3A_567 : i32 to vector<4096xi32>
    %and3A_569 = arith.andi %get3A_566, %and3A_568 : vector<4096xi32>
    %convert_element_type3A_570 = arith.sitofp %and3A_569 : vector<4096xi32> to vector<4096xf32>
    %swap3A_571 = arith.constant 3 : index
    %swap3A_572 = arith.constant 33 : index
    %swap3A_573 = arith.constant 0 : index
    %swap3A_574 = vector.load %arg4[%swap3A_571, %swap3A_572, %swap3A_573] : memref<8x34x4096xf32, #tpu.memory_space<vmem>>, vector<1x1x4096xf32>
    %swap3A_575 = vector.shape_cast %swap3A_574 : vector<1x1x4096xf32> to vector<4096xf32>
    %swap3A_576 = vector.shape_cast %convert_element_type3A_570 : vector<4096xf32> to vector<1x1x4096xf32>
    tpu.vector_store %arg4[%swap3A_571, %swap3A_572, %swap3A_573], %swap3A_576 {strides = array<i32>} : memref<8x34x4096xf32, #tpu.memory_space<vmem>>, vector<1x1x4096xf32>,
    %slice3A_577 = vector.extract_strided_slice %transpose3A {offsets = [0, 2048], sizes = [16, 512], strides = [1, 1]} : vector<128x4096xf32> to vector<16x512xf32>
    %swap3A_578 = arith.constant 4 : index
    %swap3A_579 = arith.constant 0 : index
    %swap3A_580 = arith.constant 0 : index
    %swap3A_581 = vector.load %arg4[%swap3A_578, %swap3A_579, %swap3A_580] : memref<8x34x4096xf32, #tpu.memory_space<vmem>>, vector<1x16x512xf32>
    %swap3A_582 = vector.shape_cast %swap3A_581 : vector<1x16x512xf32> to vector<16x512xf32>
    %swap3A_583 = vector.shape_cast %slice3A_577 : vector<16x512xf32> to vector<1x16x512xf32>
    tpu.vector_store %arg4[%swap3A_578, %swap3A_579, %swap3A_580], %swap3A_583 {strides = array<i32>} : memref<8x34x4096xf32, #tpu.memory_space<vmem>>, vector<1x16x512xf32>,
    %slice3A_584 = vector.extract_strided_slice %transpose3A_5 {offsets = [0, 2048], sizes = [16, 512], strides = [1, 1]} : vector<128x4096xf32> to vector<16x512xf32>
    %swap3A_585 = arith.constant 4 : index
    %swap3A_586 = arith.constant 16 : index
    %swap3A_587 = arith.constant 0 : index
    %swap3A_588 = vector.load %arg4[%swap3A_585, %swap3A_586, %swap3A_587] : memref<8x34x4096xf32, #tpu.memory_space<vmem>>, vector<1x16x512xf32>
    %swap3A_589 = vector.shape_cast %swap3A_588 : vector<1x16x512xf32> to vector<16x512xf32>
    %swap3A_590 = vector.shape_cast %slice3A_584 : vector<16x512xf32> to vector<1x16x512xf32>
    tpu.vector_store %arg4[%swap3A_585, %swap3A_586, %swap3A_587], %swap3A_590 {strides = array<i32>} : memref<8x34x4096xf32, #tpu.memory_space<vmem>>, vector<1x16x512xf32>,
    %slice3A_591 = vector.extract_strided_slice %transpose3A {offsets = [16, 2048], sizes = [16, 512], strides = [1, 1]} : vector<128x4096xf32> to vector<16x512xf32>
    %swap3A_592 = arith.constant 4 : index
    %swap3A_593 = arith.constant 0 : index
    %swap3A_594 = arith.constant 512 : index
    %swap3A_595 = vector.load %arg4[%swap3A_592, %swap3A_593, %swap3A_594] : memref<8x34x4096xf32, #tpu.memory_space<vmem>>, vector<1x16x512xf32>
    %swap3A_596 = vector.shape_cast %swap3A_595 : vector<1x16x512xf32> to vector<16x512xf32>
    %swap3A_597 = vector.shape_cast %slice3A_591 : vector<16x512xf32> to vector<1x16x512xf32>
    tpu.vector_store %arg4[%swap3A_592, %swap3A_593, %swap3A_594], %swap3A_597 {strides = array<i32>} : memref<8x34x4096xf32, #tpu.memory_space<vmem>>, vector<1x16x512xf32>,
    %slice3A_598 = vector.extract_strided_slice %transpose3A_5 {offsets = [16, 2048], sizes = [16, 512], strides = [1, 1]} : vector<128x4096xf32> to vector<16x512xf32>
    %swap3A_599 = arith.constant 4 : index
    %swap3A_600 = arith.constant 16 : index
    %swap3A_601 = arith.constant 512 : index
    %swap3A_602 = vector.load %arg4[%swap3A_599, %swap3A_600, %swap3A_601] : memref<8x34x4096xf32, #tpu.memory_space<vmem>>, vector<1x16x512xf32>
    %swap3A_603 = vector.shape_cast %swap3A_602 : vector<1x16x512xf32> to vector<16x512xf32>
    %swap3A_604 = vector.shape_cast %slice3A_598 : vector<16x512xf32> to vector<1x16x512xf32>
    tpu.vector_store %arg4[%swap3A_599, %swap3A_600, %swap3A_601], %swap3A_604 {strides = array<i32>} : memref<8x34x4096xf32, #tpu.memory_space<vmem>>, vector<1x16x512xf32>,
    %slice3A_605 = vector.extract_strided_slice %transpose3A {offsets = [32, 2048], sizes = [16, 512], strides = [1, 1]} : vector<128x4096xf32> to vector<16x512xf32>
    %swap3A_606 = arith.constant 4 : index
    %swap3A_607 = arith.constant 0 : index
    %swap3A_608 = arith.constant 1024 : index
    %swap3A_609 = vector.load %arg4[%swap3A_606, %swap3A_607, %swap3A_608] : memref<8x34x4096xf32, #tpu.memory_space<vmem>>, vector<1x16x512xf32>
    %swap3A_610 = vector.shape_cast %swap3A_609 : vector<1x16x512xf32> to vector<16x512xf32>
    %swap3A_611 = vector.shape_cast %slice3A_605 : vector<16x512xf32> to vector<1x16x512xf32>
    tpu.vector_store %arg4[%swap3A_606, %swap3A_607, %swap3A_608], %swap3A_611 {strides = array<i32>} : memref<8x34x4096xf32, #tpu.memory_space<vmem>>, vector<1x16x512xf32>,
    %slice3A_612 = vector.extract_strided_slice %transpose3A_5 {offsets = [32, 2048], sizes = [16, 512], strides = [1, 1]} : vector<128x4096xf32> to vector<16x512xf32>
    %swap3A_613 = arith.constant 4 : index
    %swap3A_614 = arith.constant 16 : index
    %swap3A_615 = arith.constant 1024 : index
    %swap3A_616 = vector.load %arg4[%swap3A_613, %swap3A_614, %swap3A_615] : memref<8x34x4096xf32, #tpu.memory_space<vmem>>, vector<1x16x512xf32>
    %swap3A_617 = vector.shape_cast %swap3A_616 : vector<1x16x512xf32> to vector<16x512xf32>
    %swap3A_618 = vector.shape_cast %slice3A_612 : vector<16x512xf32> to vector<1x16x512xf32>
    tpu.vector_store %arg4[%swap3A_613, %swap3A_614, %swap3A_615], %swap3A_618 {strides = array<i32>} : memref<8x34x4096xf32, #tpu.memory_space<vmem>>, vector<1x16x512xf32>,
    %slice3A_619 = vector.extract_strided_slice %transpose3A {offsets = [48, 2048], sizes = [16, 512], strides = [1, 1]} : vector<128x4096xf32> to vector<16x512xf32>
    %swap3A_620 = arith.constant 4 : index
    %swap3A_621 = arith.constant 0 : index
    %swap3A_622 = arith.constant 1536 : index
    %swap3A_623 = vector.load %arg4[%swap3A_620, %swap3A_621, %swap3A_622] : memref<8x34x4096xf32, #tpu.memory_space<vmem>>, vector<1x16x512xf32>
    %swap3A_624 = vector.shape_cast %swap3A_623 : vector<1x16x512xf32> to vector<16x512xf32>
    %swap3A_625 = vector.shape_cast %slice3A_619 : vector<16x512xf32> to vector<1x16x512xf32>
    tpu.vector_store %arg4[%swap3A_620, %swap3A_621, %swap3A_622], %swap3A_625 {strides = array<i32>} : memref<8x34x4096xf32, #tpu.memory_space<vmem>>, vector<1x16x512xf32>,
    %slice3A_626 = vector.extract_strided_slice %transpose3A_5 {offsets = [48, 2048], sizes = [16, 512], strides = [1, 1]} : vector<128x4096xf32> to vector<16x512xf32>
    %swap3A_627 = arith.constant 4 : index
    %swap3A_628 = arith.constant 16 : index
    %swap3A_629 = arith.constant 1536 : index
    %swap3A_630 = vector.load %arg4[%swap3A_627, %swap3A_628, %swap3A_629] : memref<8x34x4096xf32, #tpu.memory_space<vmem>>, vector<1x16x512xf32>
    %swap3A_631 = vector.shape_cast %swap3A_630 : vector<1x16x512xf32> to vector<16x512xf32>
    %swap3A_632 = vector.shape_cast %slice3A_626 : vector<16x512xf32> to vector<1x16x512xf32>
    tpu.vector_store %arg4[%swap3A_627, %swap3A_628, %swap3A_629], %swap3A_632 {strides = array<i32>} : memref<8x34x4096xf32, #tpu.memory_space<vmem>>, vector<1x16x512xf32>,
    %slice3A_633 = vector.extract_strided_slice %transpose3A {offsets = [64, 2048], sizes = [16, 512], strides = [1, 1]} : vector<128x4096xf32> to vector<16x512xf32>
    %swap3A_634 = arith.constant 4 : index
    %swap3A_635 = arith.constant 0 : index
    %swap3A_636 = arith.constant 2048 : index
    %swap3A_637 = vector.load %arg4[%swap3A_634, %swap3A_635, %swap3A_636] : memref<8x34x4096xf32, #tpu.memory_space<vmem>>, vector<1x16x512xf32>
    %swap3A_638 = vector.shape_cast %swap3A_637 : vector<1x16x512xf32> to vector<16x512xf32>
    %swap3A_639 = vector.shape_cast %slice3A_633 : vector<16x512xf32> to vector<1x16x512xf32>
    tpu.vector_store %arg4[%swap3A_634, %swap3A_635, %swap3A_636], %swap3A_639 {strides = array<i32>} : memref<8x34x4096xf32, #tpu.memory_space<vmem>>, vector<1x16x512xf32>,
    %slice3A_640 = vector.extract_strided_slice %transpose3A_5 {offsets = [64, 2048], sizes = [16, 512], strides = [1, 1]} : vector<128x4096xf32> to vector<16x512xf32>
    %swap3A_641 = arith.constant 4 : index
    %swap3A_642 = arith.constant 16 : index
    %swap3A_643 = arith.constant 2048 : index
    %swap3A_644 = vector.load %arg4[%swap3A_641, %swap3A_642, %swap3A_643] : memref<8x34x4096xf32, #tpu.memory_space<vmem>>, vector<1x16x512xf32>
    %swap3A_645 = vector.shape_cast %swap3A_644 : vector<1x16x512xf32> to vector<16x512xf32>
    %swap3A_646 = vector.shape_cast %slice3A_640 : vector<16x512xf32> to vector<1x16x512xf32>
    tpu.vector_store %arg4[%swap3A_641, %swap3A_642, %swap3A_643], %swap3A_646 {strides = array<i32>} : memref<8x34x4096xf32, #tpu.memory_space<vmem>>, vector<1x16x512xf32>,
    %slice3A_647 = vector.extract_strided_slice %transpose3A {offsets = [80, 2048], sizes = [16, 512], strides = [1, 1]} : vector<128x4096xf32> to vector<16x512xf32>
    %swap3A_648 = arith.constant 4 : index
    %swap3A_649 = arith.constant 0 : index
    %swap3A_650 = arith.constant 2560 : index
    %swap3A_651 = vector.load %arg4[%swap3A_648, %swap3A_649, %swap3A_650] : memref<8x34x4096xf32, #tpu.memory_space<vmem>>, vector<1x16x512xf32>
    %swap3A_652 = vector.shape_cast %swap3A_651 : vector<1x16x512xf32> to vector<16x512xf32>
    %swap3A_653 = vector.shape_cast %slice3A_647 : vector<16x512xf32> to vector<1x16x512xf32>
    tpu.vector_store %arg4[%swap3A_648, %swap3A_649, %swap3A_650], %swap3A_653 {strides = array<i32>} : memref<8x34x4096xf32, #tpu.memory_space<vmem>>, vector<1x16x512xf32>,
    %slice3A_654 = vector.extract_strided_slice %transpose3A_5 {offsets = [80, 2048], sizes = [16, 512], strides = [1, 1]} : vector<128x4096xf32> to vector<16x512xf32>
    %swap3A_655 = arith.constant 4 : index
    %swap3A_656 = arith.constant 16 : index
    %swap3A_657 = arith.constant 2560 : index
    %swap3A_658 = vector.load %arg4[%swap3A_655, %swap3A_656, %swap3A_657] : memref<8x34x4096xf32, #tpu.memory_space<vmem>>, vector<1x16x512xf32>
    %swap3A_659 = vector.shape_cast %swap3A_658 : vector<1x16x512xf32> to vector<16x512xf32>
    %swap3A_660 = vector.shape_cast %slice3A_654 : vector<16x512xf32> to vector<1x16x512xf32>
    tpu.vector_store %arg4[%swap3A_655, %swap3A_656, %swap3A_657], %swap3A_660 {strides = array<i32>} : memref<8x34x4096xf32, #tpu.memory_space<vmem>>, vector<1x16x512xf32>,
    %slice3A_661 = vector.extract_strided_slice %transpose3A {offsets = [96, 2048], sizes = [16, 512], strides = [1, 1]} : vector<128x4096xf32> to vector<16x512xf32>
    %swap3A_662 = arith.constant 4 : index
    %swap3A_663 = arith.constant 0 : index
    %swap3A_664 = arith.constant 3072 : index
    %swap3A_665 = vector.load %arg4[%swap3A_662, %swap3A_663, %swap3A_664] : memref<8x34x4096xf32, #tpu.memory_space<vmem>>, vector<1x16x512xf32>
    %swap3A_666 = vector.shape_cast %swap3A_665 : vector<1x16x512xf32> to vector<16x512xf32>
    %swap3A_667 = vector.shape_cast %slice3A_661 : vector<16x512xf32> to vector<1x16x512xf32>
    tpu.vector_store %arg4[%swap3A_662, %swap3A_663, %swap3A_664], %swap3A_667 {strides = array<i32>} : memref<8x34x4096xf32, #tpu.memory_space<vmem>>, vector<1x16x512xf32>,
    %slice3A_668 = vector.extract_strided_slice %transpose3A_5 {offsets = [96, 2048], sizes = [16, 512], strides = [1, 1]} : vector<128x4096xf32> to vector<16x512xf32>
    %swap3A_669 = arith.constant 4 : index
    %swap3A_670 = arith.constant 16 : index
    %swap3A_671 = arith.constant 3072 : index
    %swap3A_672 = vector.load %arg4[%swap3A_669, %swap3A_670, %swap3A_671] : memref<8x34x4096xf32, #tpu.memory_space<vmem>>, vector<1x16x512xf32>
    %swap3A_673 = vector.shape_cast %swap3A_672 : vector<1x16x512xf32> to vector<16x512xf32>
    %swap3A_674 = vector.shape_cast %slice3A_668 : vector<16x512xf32> to vector<1x16x512xf32>
    tpu.vector_store %arg4[%swap3A_669, %swap3A_670, %swap3A_671], %swap3A_674 {strides = array<i32>} : memref<8x34x4096xf32, #tpu.memory_space<vmem>>, vector<1x16x512xf32>,
    %slice3A_675 = vector.extract_strided_slice %transpose3A {offsets = [112, 2048], sizes = [16, 512], strides = [1, 1]} : vector<128x4096xf32> to vector<16x512xf32>
    %swap3A_676 = arith.constant 4 : index
    %swap3A_677 = arith.constant 0 : index
    %swap3A_678 = arith.constant 3584 : index
    %swap3A_679 = vector.load %arg4[%swap3A_676, %swap3A_677, %swap3A_678] : memref<8x34x4096xf32, #tpu.memory_space<vmem>>, vector<1x16x512xf32>
    %swap3A_680 = vector.shape_cast %swap3A_679 : vector<1x16x512xf32> to vector<16x512xf32>
    %swap3A_681 = vector.shape_cast %slice3A_675 : vector<16x512xf32> to vector<1x16x512xf32>
    tpu.vector_store %arg4[%swap3A_676, %swap3A_677, %swap3A_678], %swap3A_681 {strides = array<i32>} : memref<8x34x4096xf32, #tpu.memory_space<vmem>>, vector<1x16x512xf32>,
    %slice3A_682 = vector.extract_strided_slice %transpose3A_5 {offsets = [112, 2048], sizes = [16, 512], strides = [1, 1]} : vector<128x4096xf32> to vector<16x512xf32>
    %swap3A_683 = arith.constant 4 : index
    %swap3A_684 = arith.constant 16 : index
    %swap3A_685 = arith.constant 3584 : index
    %swap3A_686 = vector.load %arg4[%swap3A_683, %swap3A_684, %swap3A_685] : memref<8x34x4096xf32, #tpu.memory_space<vmem>>, vector<1x16x512xf32>
    %swap3A_687 = vector.shape_cast %swap3A_686 : vector<1x16x512xf32> to vector<16x512xf32>
    %swap3A_688 = vector.shape_cast %slice3A_682 : vector<16x512xf32> to vector<1x16x512xf32>
    tpu.vector_store %arg4[%swap3A_683, %swap3A_684, %swap3A_685], %swap3A_688 {strides = array<i32>} : memref<8x34x4096xf32, #tpu.memory_space<vmem>>, vector<1x16x512xf32>,
    %get3A_689 = arith.constant 0 : index
    %get3A_690 = arith.constant 4 : index
    %get3A_691 = arith.constant 0 : index
    %get3A_692 = arith.constant 0 : index
    %get3A_693 = vector.load %arg3[%get3A_689, %get3A_690, %get3A_691, %get3A_692] : memref<2x8x1x4096xi32, #tpu.memory_space<vmem>>, vector<1x1x1x4096xi32>
    %get3A_694 = vector.shape_cast %get3A_693 : vector<1x1x1x4096xi32> to vector<4096xi32>
    %convert_element_type3A_695 = arith.sitofp %get3A_694 : vector<4096xi32> to vector<4096xf32>
    %mul3A_696 = arith.constant 1.000010e-05 : f32
    %mul3A_697 = vector.broadcast %mul3A_696 : f32 to vector<4096xf32>
    %mul3A_698 = arith.mulf %convert_element_type3A_695, %mul3A_697 : vector<4096xf32>
    %swap3A_699 = arith.constant 4 : index
    %swap3A_700 = arith.constant 32 : index
    %swap3A_701 = arith.constant 0 : index
    %swap3A_702 = vector.load %arg4[%swap3A_699, %swap3A_700, %swap3A_701] : memref<8x34x4096xf32, #tpu.memory_space<vmem>>, vector<1x1x4096xf32>
    %swap3A_703 = vector.shape_cast %swap3A_702 : vector<1x1x4096xf32> to vector<4096xf32>
    %swap3A_704 = vector.shape_cast %mul3A_698 : vector<4096xf32> to vector<1x1x4096xf32>
    tpu.vector_store %arg4[%swap3A_699, %swap3A_700, %swap3A_701], %swap3A_704 {strides = array<i32>} : memref<8x34x4096xf32, #tpu.memory_space<vmem>>, vector<1x1x4096xf32>,
    %get3A_705 = arith.constant 1 : index
    %get3A_706 = arith.constant 4 : index
    %get3A_707 = arith.constant 0 : index
    %get3A_708 = arith.constant 0 : index
    %get3A_709 = vector.load %arg3[%get3A_705, %get3A_706, %get3A_707, %get3A_708] : memref<2x8x1x4096xi32, #tpu.memory_space<vmem>>, vector<1x1x1x4096xi32>
    %get3A_710 = vector.shape_cast %get3A_709 : vector<1x1x1x4096xi32> to vector<4096xi32>
    %and3A_711 = arith.constant 1 : i32
    %and3A_712 = vector.broadcast %and3A_711 : i32 to vector<4096xi32>
    %and3A_713 = arith.andi %get3A_710, %and3A_712 : vector<4096xi32>
    %convert_element_type3A_714 = arith.sitofp %and3A_713 : vector<4096xi32> to vector<4096xf32>
    %swap3A_715 = arith.constant 4 : index
    %swap3A_716 = arith.constant 33 : index
    %swap3A_717 = arith.constant 0 : index
    %swap3A_718 = vector.load %arg4[%swap3A_715, %swap3A_716, %swap3A_717] : memref<8x34x4096xf32, #tpu.memory_space<vmem>>, vector<1x1x4096xf32>
    %swap3A_719 = vector.shape_cast %swap3A_718 : vector<1x1x4096xf32> to vector<4096xf32>
    %swap3A_720 = vector.shape_cast %convert_element_type3A_714 : vector<4096xf32> to vector<1x1x4096xf32>
    tpu.vector_store %arg4[%swap3A_715, %swap3A_716, %swap3A_717], %swap3A_720 {strides = array<i32>} : memref<8x34x4096xf32, #tpu.memory_space<vmem>>, vector<1x1x4096xf32>,
    %slice3A_721 = vector.extract_strided_slice %transpose3A {offsets = [0, 2560], sizes = [16, 512], strides = [1, 1]} : vector<128x4096xf32> to vector<16x512xf32>
    %swap3A_722 = arith.constant 5 : index
    %swap3A_723 = arith.constant 0 : index
    %swap3A_724 = arith.constant 0 : index
    %swap3A_725 = vector.load %arg4[%swap3A_722, %swap3A_723, %swap3A_724] : memref<8x34x4096xf32, #tpu.memory_space<vmem>>, vector<1x16x512xf32>
    %swap3A_726 = vector.shape_cast %swap3A_725 : vector<1x16x512xf32> to vector<16x512xf32>
    %swap3A_727 = vector.shape_cast %slice3A_721 : vector<16x512xf32> to vector<1x16x512xf32>
    tpu.vector_store %arg4[%swap3A_722, %swap3A_723, %swap3A_724], %swap3A_727 {strides = array<i32>} : memref<8x34x4096xf32, #tpu.memory_space<vmem>>, vector<1x16x512xf32>,
    %slice3A_728 = vector.extract_strided_slice %transpose3A_5 {offsets = [0, 2560], sizes = [16, 512], strides = [1, 1]} : vector<128x4096xf32> to vector<16x512xf32>
    %swap3A_729 = arith.constant 5 : index
    %swap3A_730 = arith.constant 16 : index
    %swap3A_731 = arith.constant 0 : index
    %swap3A_732 = vector.load %arg4[%swap3A_729, %swap3A_730, %swap3A_731] : memref<8x34x4096xf32, #tpu.memory_space<vmem>>, vector<1x16x512xf32>
    %swap3A_733 = vector.shape_cast %swap3A_732 : vector<1x16x512xf32> to vector<16x512xf32>
    %swap3A_734 = vector.shape_cast %slice3A_728 : vector<16x512xf32> to vector<1x16x512xf32>
    tpu.vector_store %arg4[%swap3A_729, %swap3A_730, %swap3A_731], %swap3A_734 {strides = array<i32>} : memref<8x34x4096xf32, #tpu.memory_space<vmem>>, vector<1x16x512xf32>,
    %slice3A_735 = vector.extract_strided_slice %transpose3A {offsets = [16, 2560], sizes = [16, 512], strides = [1, 1]} : vector<128x4096xf32> to vector<16x512xf32>
    %swap3A_736 = arith.constant 5 : index
    %swap3A_737 = arith.constant 0 : index
    %swap3A_738 = arith.constant 512 : index
    %swap3A_739 = vector.load %arg4[%swap3A_736, %swap3A_737, %swap3A_738] : memref<8x34x4096xf32, #tpu.memory_space<vmem>>, vector<1x16x512xf32>
    %swap3A_740 = vector.shape_cast %swap3A_739 : vector<1x16x512xf32> to vector<16x512xf32>
    %swap3A_741 = vector.shape_cast %slice3A_735 : vector<16x512xf32> to vector<1x16x512xf32>
    tpu.vector_store %arg4[%swap3A_736, %swap3A_737, %swap3A_738], %swap3A_741 {strides = array<i32>} : memref<8x34x4096xf32, #tpu.memory_space<vmem>>, vector<1x16x512xf32>,
    %slice3A_742 = vector.extract_strided_slice %transpose3A_5 {offsets = [16, 2560], sizes = [16, 512], strides = [1, 1]} : vector<128x4096xf32> to vector<16x512xf32>
    %swap3A_743 = arith.constant 5 : index
    %swap3A_744 = arith.constant 16 : index
    %swap3A_745 = arith.constant 512 : index
    %swap3A_746 = vector.load %arg4[%swap3A_743, %swap3A_744, %swap3A_745] : memref<8x34x4096xf32, #tpu.memory_space<vmem>>, vector<1x16x512xf32>
    %swap3A_747 = vector.shape_cast %swap3A_746 : vector<1x16x512xf32> to vector<16x512xf32>
    %swap3A_748 = vector.shape_cast %slice3A_742 : vector<16x512xf32> to vector<1x16x512xf32>
    tpu.vector_store %arg4[%swap3A_743, %swap3A_744, %swap3A_745], %swap3A_748 {strides = array<i32>} : memref<8x34x4096xf32, #tpu.memory_space<vmem>>, vector<1x16x512xf32>,
    %slice3A_749 = vector.extract_strided_slice %transpose3A {offsets = [32, 2560], sizes = [16, 512], strides = [1, 1]} : vector<128x4096xf32> to vector<16x512xf32>
    %swap3A_750 = arith.constant 5 : index
    %swap3A_751 = arith.constant 0 : index
    %swap3A_752 = arith.constant 1024 : index
    %swap3A_753 = vector.load %arg4[%swap3A_750, %swap3A_751, %swap3A_752] : memref<8x34x4096xf32, #tpu.memory_space<vmem>>, vector<1x16x512xf32>
    %swap3A_754 = vector.shape_cast %swap3A_753 : vector<1x16x512xf32> to vector<16x512xf32>
    %swap3A_755 = vector.shape_cast %slice3A_749 : vector<16x512xf32> to vector<1x16x512xf32>
    tpu.vector_store %arg4[%swap3A_750, %swap3A_751, %swap3A_752], %swap3A_755 {strides = array<i32>} : memref<8x34x4096xf32, #tpu.memory_space<vmem>>, vector<1x16x512xf32>,
    %slice3A_756 = vector.extract_strided_slice %transpose3A_5 {offsets = [32, 2560], sizes = [16, 512], strides = [1, 1]} : vector<128x4096xf32> to vector<16x512xf32>
    %swap3A_757 = arith.constant 5 : index
    %swap3A_758 = arith.constant 16 : index
    %swap3A_759 = arith.constant 1024 : index
    %swap3A_760 = vector.load %arg4[%swap3A_757, %swap3A_758, %swap3A_759] : memref<8x34x4096xf32, #tpu.memory_space<vmem>>, vector<1x16x512xf32>
    %swap3A_761 = vector.shape_cast %swap3A_760 : vector<1x16x512xf32> to vector<16x512xf32>
    %swap3A_762 = vector.shape_cast %slice3A_756 : vector<16x512xf32> to vector<1x16x512xf32>
    tpu.vector_store %arg4[%swap3A_757, %swap3A_758, %swap3A_759], %swap3A_762 {strides = array<i32>} : memref<8x34x4096xf32, #tpu.memory_space<vmem>>, vector<1x16x512xf32>,
    %slice3A_763 = vector.extract_strided_slice %transpose3A {offsets = [48, 2560], sizes = [16, 512], strides = [1, 1]} : vector<128x4096xf32> to vector<16x512xf32>
    %swap3A_764 = arith.constant 5 : index
    %swap3A_765 = arith.constant 0 : index
    %swap3A_766 = arith.constant 1536 : index
    %swap3A_767 = vector.load %arg4[%swap3A_764, %swap3A_765, %swap3A_766] : memref<8x34x4096xf32, #tpu.memory_space<vmem>>, vector<1x16x512xf32>
    %swap3A_768 = vector.shape_cast %swap3A_767 : vector<1x16x512xf32> to vector<16x512xf32>
    %swap3A_769 = vector.shape_cast %slice3A_763 : vector<16x512xf32> to vector<1x16x512xf32>
    tpu.vector_store %arg4[%swap3A_764, %swap3A_765, %swap3A_766], %swap3A_769 {strides = array<i32>} : memref<8x34x4096xf32, #tpu.memory_space<vmem>>, vector<1x16x512xf32>,
    %slice3A_770 = vector.extract_strided_slice %transpose3A_5 {offsets = [48, 2560], sizes = [16, 512], strides = [1, 1]} : vector<128x4096xf32> to vector<16x512xf32>
    %swap3A_771 = arith.constant 5 : index
    %swap3A_772 = arith.constant 16 : index
    %swap3A_773 = arith.constant 1536 : index
    %swap3A_774 = vector.load %arg4[%swap3A_771, %swap3A_772, %swap3A_773] : memref<8x34x4096xf32, #tpu.memory_space<vmem>>, vector<1x16x512xf32>
    %swap3A_775 = vector.shape_cast %swap3A_774 : vector<1x16x512xf32> to vector<16x512xf32>
    %swap3A_776 = vector.shape_cast %slice3A_770 : vector<16x512xf32> to vector<1x16x512xf32>
    tpu.vector_store %arg4[%swap3A_771, %swap3A_772, %swap3A_773], %swap3A_776 {strides = array<i32>} : memref<8x34x4096xf32, #tpu.memory_space<vmem>>, vector<1x16x512xf32>,
    %slice3A_777 = vector.extract_strided_slice %transpose3A {offsets = [64, 2560], sizes = [16, 512], strides = [1, 1]} : vector<128x4096xf32> to vector<16x512xf32>
    %swap3A_778 = arith.constant 5 : index
    %swap3A_779 = arith.constant 0 : index
    %swap3A_780 = arith.constant 2048 : index
    %swap3A_781 = vector.load %arg4[%swap3A_778, %swap3A_779, %swap3A_780] : memref<8x34x4096xf32, #tpu.memory_space<vmem>>, vector<1x16x512xf32>
    %swap3A_782 = vector.shape_cast %swap3A_781 : vector<1x16x512xf32> to vector<16x512xf32>
    %swap3A_783 = vector.shape_cast %slice3A_777 : vector<16x512xf32> to vector<1x16x512xf32>
    tpu.vector_store %arg4[%swap3A_778, %swap3A_779, %swap3A_780], %swap3A_783 {strides = array<i32>} : memref<8x34x4096xf32, #tpu.memory_space<vmem>>, vector<1x16x512xf32>,
    %slice3A_784 = vector.extract_strided_slice %transpose3A_5 {offsets = [64, 2560], sizes = [16, 512], strides = [1, 1]} : vector<128x4096xf32> to vector<16x512xf32>
    %swap3A_785 = arith.constant 5 : index
    %swap3A_786 = arith.constant 16 : index
    %swap3A_787 = arith.constant 2048 : index
    %swap3A_788 = vector.load %arg4[%swap3A_785, %swap3A_786, %swap3A_787] : memref<8x34x4096xf32, #tpu.memory_space<vmem>>, vector<1x16x512xf32>
    %swap3A_789 = vector.shape_cast %swap3A_788 : vector<1x16x512xf32> to vector<16x512xf32>
    %swap3A_790 = vector.shape_cast %slice3A_784 : vector<16x512xf32> to vector<1x16x512xf32>
    tpu.vector_store %arg4[%swap3A_785, %swap3A_786, %swap3A_787], %swap3A_790 {strides = array<i32>} : memref<8x34x4096xf32, #tpu.memory_space<vmem>>, vector<1x16x512xf32>,
    %slice3A_791 = vector.extract_strided_slice %transpose3A {offsets = [80, 2560], sizes = [16, 512], strides = [1, 1]} : vector<128x4096xf32> to vector<16x512xf32>
    %swap3A_792 = arith.constant 5 : index
    %swap3A_793 = arith.constant 0 : index
    %swap3A_794 = arith.constant 2560 : index
    %swap3A_795 = vector.load %arg4[%swap3A_792, %swap3A_793, %swap3A_794] : memref<8x34x4096xf32, #tpu.memory_space<vmem>>, vector<1x16x512xf32>
    %swap3A_796 = vector.shape_cast %swap3A_795 : vector<1x16x512xf32> to vector<16x512xf32>
    %swap3A_797 = vector.shape_cast %slice3A_791 : vector<16x512xf32> to vector<1x16x512xf32>
    tpu.vector_store %arg4[%swap3A_792, %swap3A_793, %swap3A_794], %swap3A_797 {strides = array<i32>} : memref<8x34x4096xf32, #tpu.memory_space<vmem>>, vector<1x16x512xf32>,
    %slice3A_798 = vector.extract_strided_slice %transpose3A_5 {offsets = [80, 2560], sizes = [16, 512], strides = [1, 1]} : vector<128x4096xf32> to vector<16x512xf32>
    %swap3A_799 = arith.constant 5 : index
    %swap3A_800 = arith.constant 16 : index
    %swap3A_801 = arith.constant 2560 : index
    %swap3A_802 = vector.load %arg4[%swap3A_799, %swap3A_800, %swap3A_801] : memref<8x34x4096xf32, #tpu.memory_space<vmem>>, vector<1x16x512xf32>
    %swap3A_803 = vector.shape_cast %swap3A_802 : vector<1x16x512xf32> to vector<16x512xf32>
    %swap3A_804 = vector.shape_cast %slice3A_798 : vector<16x512xf32> to vector<1x16x512xf32>
    tpu.vector_store %arg4[%swap3A_799, %swap3A_800, %swap3A_801], %swap3A_804 {strides = array<i32>} : memref<8x34x4096xf32, #tpu.memory_space<vmem>>, vector<1x16x512xf32>,
    %slice3A_805 = vector.extract_strided_slice %transpose3A {offsets = [96, 2560], sizes = [16, 512], strides = [1, 1]} : vector<128x4096xf32> to vector<16x512xf32>
    %swap3A_806 = arith.constant 5 : index
    %swap3A_807 = arith.constant 0 : index
    %swap3A_808 = arith.constant 3072 : index
    %swap3A_809 = vector.load %arg4[%swap3A_806, %swap3A_807, %swap3A_808] : memref<8x34x4096xf32, #tpu.memory_space<vmem>>, vector<1x16x512xf32>
    %swap3A_810 = vector.shape_cast %swap3A_809 : vector<1x16x512xf32> to vector<16x512xf32>
    %swap3A_811 = vector.shape_cast %slice3A_805 : vector<16x512xf32> to vector<1x16x512xf32>
    tpu.vector_store %arg4[%swap3A_806, %swap3A_807, %swap3A_808], %swap3A_811 {strides = array<i32>} : memref<8x34x4096xf32, #tpu.memory_space<vmem>>, vector<1x16x512xf32>,
    %slice3A_812 = vector.extract_strided_slice %transpose3A_5 {offsets = [96, 2560], sizes = [16, 512], strides = [1, 1]} : vector<128x4096xf32> to vector<16x512xf32>
    %swap3A_813 = arith.constant 5 : index
    %swap3A_814 = arith.constant 16 : index
    %swap3A_815 = arith.constant 3072 : index
    %swap3A_816 = vector.load %arg4[%swap3A_813, %swap3A_814, %swap3A_815] : memref<8x34x4096xf32, #tpu.memory_space<vmem>>, vector<1x16x512xf32>
    %swap3A_817 = vector.shape_cast %swap3A_816 : vector<1x16x512xf32> to vector<16x512xf32>
    %swap3A_818 = vector.shape_cast %slice3A_812 : vector<16x512xf32> to vector<1x16x512xf32>
    tpu.vector_store %arg4[%swap3A_813, %swap3A_814, %swap3A_815], %swap3A_818 {strides = array<i32>} : memref<8x34x4096xf32, #tpu.memory_space<vmem>>, vector<1x16x512xf32>,
    %slice3A_819 = vector.extract_strided_slice %transpose3A {offsets = [112, 2560], sizes = [16, 512], strides = [1, 1]} : vector<128x4096xf32> to vector<16x512xf32>
    %swap3A_820 = arith.constant 5 : index
    %swap3A_821 = arith.constant 0 : index
    %swap3A_822 = arith.constant 3584 : index
    %swap3A_823 = vector.load %arg4[%swap3A_820, %swap3A_821, %swap3A_822] : memref<8x34x4096xf32, #tpu.memory_space<vmem>>, vector<1x16x512xf32>
    %swap3A_824 = vector.shape_cast %swap3A_823 : vector<1x16x512xf32> to vector<16x512xf32>
    %swap3A_825 = vector.shape_cast %slice3A_819 : vector<16x512xf32> to vector<1x16x512xf32>
    tpu.vector_store %arg4[%swap3A_820, %swap3A_821, %swap3A_822], %swap3A_825 {strides = array<i32>} : memref<8x34x4096xf32, #tpu.memory_space<vmem>>, vector<1x16x512xf32>,
    %slice3A_826 = vector.extract_strided_slice %transpose3A_5 {offsets = [112, 2560], sizes = [16, 512], strides = [1, 1]} : vector<128x4096xf32> to vector<16x512xf32>
    %swap3A_827 = arith.constant 5 : index
    %swap3A_828 = arith.constant 16 : index
    %swap3A_829 = arith.constant 3584 : index
    %swap3A_830 = vector.load %arg4[%swap3A_827, %swap3A_828, %swap3A_829] : memref<8x34x4096xf32, #tpu.memory_space<vmem>>, vector<1x16x512xf32>
    %swap3A_831 = vector.shape_cast %swap3A_830 : vector<1x16x512xf32> to vector<16x512xf32>
    %swap3A_832 = vector.shape_cast %slice3A_826 : vector<16x512xf32> to vector<1x16x512xf32>
    tpu.vector_store %arg4[%swap3A_827, %swap3A_828, %swap3A_829], %swap3A_832 {strides = array<i32>} : memref<8x34x4096xf32, #tpu.memory_space<vmem>>, vector<1x16x512xf32>,
    %get3A_833 = arith.constant 0 : index
    %get3A_834 = arith.constant 5 : index
    %get3A_835 = arith.constant 0 : index
    %get3A_836 = arith.constant 0 : index
    %get3A_837 = vector.load %arg3[%get3A_833, %get3A_834, %get3A_835, %get3A_836] : memref<2x8x1x4096xi32, #tpu.memory_space<vmem>>, vector<1x1x1x4096xi32>
    %get3A_838 = vector.shape_cast %get3A_837 : vector<1x1x1x4096xi32> to vector<4096xi32>
    %convert_element_type3A_839 = arith.sitofp %get3A_838 : vector<4096xi32> to vector<4096xf32>
    %mul3A_840 = arith.constant 1.000010e-05 : f32
    %mul3A_841 = vector.broadcast %mul3A_840 : f32 to vector<4096xf32>
    %mul3A_842 = arith.mulf %convert_element_type3A_839, %mul3A_841 : vector<4096xf32>
    %swap3A_843 = arith.constant 5 : index
    %swap3A_844 = arith.constant 32 : index
    %swap3A_845 = arith.constant 0 : index
    %swap3A_846 = vector.load %arg4[%swap3A_843, %swap3A_844, %swap3A_845] : memref<8x34x4096xf32, #tpu.memory_space<vmem>>, vector<1x1x4096xf32>
    %swap3A_847 = vector.shape_cast %swap3A_846 : vector<1x1x4096xf32> to vector<4096xf32>
    %swap3A_848 = vector.shape_cast %mul3A_842 : vector<4096xf32> to vector<1x1x4096xf32>
    tpu.vector_store %arg4[%swap3A_843, %swap3A_844, %swap3A_845], %swap3A_848 {strides = array<i32>} : memref<8x34x4096xf32, #tpu.memory_space<vmem>>, vector<1x1x4096xf32>,
    %get3A_849 = arith.constant 1 : index
    %get3A_850 = arith.constant 5 : index
    %get3A_851 = arith.constant 0 : index
    %get3A_852 = arith.constant 0 : index
    %get3A_853 = vector.load %arg3[%get3A_849, %get3A_850, %get3A_851, %get3A_852] : memref<2x8x1x4096xi32, #tpu.memory_space<vmem>>, vector<1x1x1x4096xi32>
    %get3A_854 = vector.shape_cast %get3A_853 : vector<1x1x1x4096xi32> to vector<4096xi32>
    %and3A_855 = arith.constant 1 : i32
    %and3A_856 = vector.broadcast %and3A_855 : i32 to vector<4096xi32>
    %and3A_857 = arith.andi %get3A_854, %and3A_856 : vector<4096xi32>
    %convert_element_type3A_858 = arith.sitofp %and3A_857 : vector<4096xi32> to vector<4096xf32>
    %swap3A_859 = arith.constant 5 : index
    %swap3A_860 = arith.constant 33 : index
    %swap3A_861 = arith.constant 0 : index
    %swap3A_862 = vector.load %arg4[%swap3A_859, %swap3A_860, %swap3A_861] : memref<8x34x4096xf32, #tpu.memory_space<vmem>>, vector<1x1x4096xf32>
    %swap3A_863 = vector.shape_cast %swap3A_862 : vector<1x1x4096xf32> to vector<4096xf32>
    %swap3A_864 = vector.shape_cast %convert_element_type3A_858 : vector<4096xf32> to vector<1x1x4096xf32>
    tpu.vector_store %arg4[%swap3A_859, %swap3A_860, %swap3A_861], %swap3A_864 {strides = array<i32>} : memref<8x34x4096xf32, #tpu.memory_space<vmem>>, vector<1x1x4096xf32>,
    %slice3A_865 = vector.extract_strided_slice %transpose3A {offsets = [0, 3072], sizes = [16, 512], strides = [1, 1]} : vector<128x4096xf32> to vector<16x512xf32>
    %swap3A_866 = arith.constant 6 : index
    %swap3A_867 = arith.constant 0 : index
    %swap3A_868 = arith.constant 0 : index
    %swap3A_869 = vector.load %arg4[%swap3A_866, %swap3A_867, %swap3A_868] : memref<8x34x4096xf32, #tpu.memory_space<vmem>>, vector<1x16x512xf32>
    %swap3A_870 = vector.shape_cast %swap3A_869 : vector<1x16x512xf32> to vector<16x512xf32>
    %swap3A_871 = vector.shape_cast %slice3A_865 : vector<16x512xf32> to vector<1x16x512xf32>
    tpu.vector_store %arg4[%swap3A_866, %swap3A_867, %swap3A_868], %swap3A_871 {strides = array<i32>} : memref<8x34x4096xf32, #tpu.memory_space<vmem>>, vector<1x16x512xf32>,
    %slice3A_872 = vector.extract_strided_slice %transpose3A_5 {offsets = [0, 3072], sizes = [16, 512], strides = [1, 1]} : vector<128x4096xf32> to vector<16x512xf32>
    %swap3A_873 = arith.constant 6 : index
    %swap3A_874 = arith.constant 16 : index
    %swap3A_875 = arith.constant 0 : index
    %swap3A_876 = vector.load %arg4[%swap3A_873, %swap3A_874, %swap3A_875] : memref<8x34x4096xf32, #tpu.memory_space<vmem>>, vector<1x16x512xf32>
    %swap3A_877 = vector.shape_cast %swap3A_876 : vector<1x16x512xf32> to vector<16x512xf32>
    %swap3A_878 = vector.shape_cast %slice3A_872 : vector<16x512xf32> to vector<1x16x512xf32>
    tpu.vector_store %arg4[%swap3A_873, %swap3A_874, %swap3A_875], %swap3A_878 {strides = array<i32>} : memref<8x34x4096xf32, #tpu.memory_space<vmem>>, vector<1x16x512xf32>,
    %slice3A_879 = vector.extract_strided_slice %transpose3A {offsets = [16, 3072], sizes = [16, 512], strides = [1, 1]} : vector<128x4096xf32> to vector<16x512xf32>
    %swap3A_880 = arith.constant 6 : index
    %swap3A_881 = arith.constant 0 : index
    %swap3A_882 = arith.constant 512 : index
    %swap3A_883 = vector.load %arg4[%swap3A_880, %swap3A_881, %swap3A_882] : memref<8x34x4096xf32, #tpu.memory_space<vmem>>, vector<1x16x512xf32>
    %swap3A_884 = vector.shape_cast %swap3A_883 : vector<1x16x512xf32> to vector<16x512xf32>
    %swap3A_885 = vector.shape_cast %slice3A_879 : vector<16x512xf32> to vector<1x16x512xf32>
    tpu.vector_store %arg4[%swap3A_880, %swap3A_881, %swap3A_882], %swap3A_885 {strides = array<i32>} : memref<8x34x4096xf32, #tpu.memory_space<vmem>>, vector<1x16x512xf32>,
    %slice3A_886 = vector.extract_strided_slice %transpose3A_5 {offsets = [16, 3072], sizes = [16, 512], strides = [1, 1]} : vector<128x4096xf32> to vector<16x512xf32>
    %swap3A_887 = arith.constant 6 : index
    %swap3A_888 = arith.constant 16 : index
    %swap3A_889 = arith.constant 512 : index
    %swap3A_890 = vector.load %arg4[%swap3A_887, %swap3A_888, %swap3A_889] : memref<8x34x4096xf32, #tpu.memory_space<vmem>>, vector<1x16x512xf32>
    %swap3A_891 = vector.shape_cast %swap3A_890 : vector<1x16x512xf32> to vector<16x512xf32>
    %swap3A_892 = vector.shape_cast %slice3A_886 : vector<16x512xf32> to vector<1x16x512xf32>
    tpu.vector_store %arg4[%swap3A_887, %swap3A_888, %swap3A_889], %swap3A_892 {strides = array<i32>} : memref<8x34x4096xf32, #tpu.memory_space<vmem>>, vector<1x16x512xf32>,
    %slice3A_893 = vector.extract_strided_slice %transpose3A {offsets = [32, 3072], sizes = [16, 512], strides = [1, 1]} : vector<128x4096xf32> to vector<16x512xf32>
    %swap3A_894 = arith.constant 6 : index
    %swap3A_895 = arith.constant 0 : index
    %swap3A_896 = arith.constant 1024 : index
    %swap3A_897 = vector.load %arg4[%swap3A_894, %swap3A_895, %swap3A_896] : memref<8x34x4096xf32, #tpu.memory_space<vmem>>, vector<1x16x512xf32>
    %swap3A_898 = vector.shape_cast %swap3A_897 : vector<1x16x512xf32> to vector<16x512xf32>
    %swap3A_899 = vector.shape_cast %slice3A_893 : vector<16x512xf32> to vector<1x16x512xf32>
    tpu.vector_store %arg4[%swap3A_894, %swap3A_895, %swap3A_896], %swap3A_899 {strides = array<i32>} : memref<8x34x4096xf32, #tpu.memory_space<vmem>>, vector<1x16x512xf32>,
    %slice3A_900 = vector.extract_strided_slice %transpose3A_5 {offsets = [32, 3072], sizes = [16, 512], strides = [1, 1]} : vector<128x4096xf32> to vector<16x512xf32>
    %swap3A_901 = arith.constant 6 : index
    %swap3A_902 = arith.constant 16 : index
    %swap3A_903 = arith.constant 1024 : index
    %swap3A_904 = vector.load %arg4[%swap3A_901, %swap3A_902, %swap3A_903] : memref<8x34x4096xf32, #tpu.memory_space<vmem>>, vector<1x16x512xf32>
    %swap3A_905 = vector.shape_cast %swap3A_904 : vector<1x16x512xf32> to vector<16x512xf32>
    %swap3A_906 = vector.shape_cast %slice3A_900 : vector<16x512xf32> to vector<1x16x512xf32>
    tpu.vector_store %arg4[%swap3A_901, %swap3A_902, %swap3A_903], %swap3A_906 {strides = array<i32>} : memref<8x34x4096xf32, #tpu.memory_space<vmem>>, vector<1x16x512xf32>,
    %slice3A_907 = vector.extract_strided_slice %transpose3A {offsets = [48, 3072], sizes = [16, 512], strides = [1, 1]} : vector<128x4096xf32> to vector<16x512xf32>
    %swap3A_908 = arith.constant 6 : index
    %swap3A_909 = arith.constant 0 : index
    %swap3A_910 = arith.constant 1536 : index
    %swap3A_911 = vector.load %arg4[%swap3A_908, %swap3A_909, %swap3A_910] : memref<8x34x4096xf32, #tpu.memory_space<vmem>>, vector<1x16x512xf32>
    %swap3A_912 = vector.shape_cast %swap3A_911 : vector<1x16x512xf32> to vector<16x512xf32>
    %swap3A_913 = vector.shape_cast %slice3A_907 : vector<16x512xf32> to vector<1x16x512xf32>
    tpu.vector_store %arg4[%swap3A_908, %swap3A_909, %swap3A_910], %swap3A_913 {strides = array<i32>} : memref<8x34x4096xf32, #tpu.memory_space<vmem>>, vector<1x16x512xf32>,
    %slice3A_914 = vector.extract_strided_slice %transpose3A_5 {offsets = [48, 3072], sizes = [16, 512], strides = [1, 1]} : vector<128x4096xf32> to vector<16x512xf32>
    %swap3A_915 = arith.constant 6 : index
    %swap3A_916 = arith.constant 16 : index
    %swap3A_917 = arith.constant 1536 : index
    %swap3A_918 = vector.load %arg4[%swap3A_915, %swap3A_916, %swap3A_917] : memref<8x34x4096xf32, #tpu.memory_space<vmem>>, vector<1x16x512xf32>
    %swap3A_919 = vector.shape_cast %swap3A_918 : vector<1x16x512xf32> to vector<16x512xf32>
    %swap3A_920 = vector.shape_cast %slice3A_914 : vector<16x512xf32> to vector<1x16x512xf32>
    tpu.vector_store %arg4[%swap3A_915, %swap3A_916, %swap3A_917], %swap3A_920 {strides = array<i32>} : memref<8x34x4096xf32, #tpu.memory_space<vmem>>, vector<1x16x512xf32>,
    %slice3A_921 = vector.extract_strided_slice %transpose3A {offsets = [64, 3072], sizes = [16, 512], strides = [1, 1]} : vector<128x4096xf32> to vector<16x512xf32>
    %swap3A_922 = arith.constant 6 : index
    %swap3A_923 = arith.constant 0 : index
    %swap3A_924 = arith.constant 2048 : index
    %swap3A_925 = vector.load %arg4[%swap3A_922, %swap3A_923, %swap3A_924] : memref<8x34x4096xf32, #tpu.memory_space<vmem>>, vector<1x16x512xf32>
    %swap3A_926 = vector.shape_cast %swap3A_925 : vector<1x16x512xf32> to vector<16x512xf32>
    %swap3A_927 = vector.shape_cast %slice3A_921 : vector<16x512xf32> to vector<1x16x512xf32>
    tpu.vector_store %arg4[%swap3A_922, %swap3A_923, %swap3A_924], %swap3A_927 {strides = array<i32>} : memref<8x34x4096xf32, #tpu.memory_space<vmem>>, vector<1x16x512xf32>,
    %slice3A_928 = vector.extract_strided_slice %transpose3A_5 {offsets = [64, 3072], sizes = [16, 512], strides = [1, 1]} : vector<128x4096xf32> to vector<16x512xf32>
    %swap3A_929 = arith.constant 6 : index
    %swap3A_930 = arith.constant 16 : index
    %swap3A_931 = arith.constant 2048 : index
    %swap3A_932 = vector.load %arg4[%swap3A_929, %swap3A_930, %swap3A_931] : memref<8x34x4096xf32, #tpu.memory_space<vmem>>, vector<1x16x512xf32>
    %swap3A_933 = vector.shape_cast %swap3A_932 : vector<1x16x512xf32> to vector<16x512xf32>
    %swap3A_934 = vector.shape_cast %slice3A_928 : vector<16x512xf32> to vector<1x16x512xf32>
    tpu.vector_store %arg4[%swap3A_929, %swap3A_930, %swap3A_931], %swap3A_934 {strides = array<i32>} : memref<8x34x4096xf32, #tpu.memory_space<vmem>>, vector<1x16x512xf32>,
    %slice3A_935 = vector.extract_strided_slice %transpose3A {offsets = [80, 3072], sizes = [16, 512], strides = [1, 1]} : vector<128x4096xf32> to vector<16x512xf32>
    %swap3A_936 = arith.constant 6 : index
    %swap3A_937 = arith.constant 0 : index
    %swap3A_938 = arith.constant 2560 : index
    %swap3A_939 = vector.load %arg4[%swap3A_936, %swap3A_937, %swap3A_938] : memref<8x34x4096xf32, #tpu.memory_space<vmem>>, vector<1x16x512xf32>
    %swap3A_940 = vector.shape_cast %swap3A_939 : vector<1x16x512xf32> to vector<16x512xf32>
    %swap3A_941 = vector.shape_cast %slice3A_935 : vector<16x512xf32> to vector<1x16x512xf32>
    tpu.vector_store %arg4[%swap3A_936, %swap3A_937, %swap3A_938], %swap3A_941 {strides = array<i32>} : memref<8x34x4096xf32, #tpu.memory_space<vmem>>, vector<1x16x512xf32>,
    %slice3A_942 = vector.extract_strided_slice %transpose3A_5 {offsets = [80, 3072], sizes = [16, 512], strides = [1, 1]} : vector<128x4096xf32> to vector<16x512xf32>
    %swap3A_943 = arith.constant 6 : index
    %swap3A_944 = arith.constant 16 : index
    %swap3A_945 = arith.constant 2560 : index
    %swap3A_946 = vector.load %arg4[%swap3A_943, %swap3A_944, %swap3A_945] : memref<8x34x4096xf32, #tpu.memory_space<vmem>>, vector<1x16x512xf32>
    %swap3A_947 = vector.shape_cast %swap3A_946 : vector<1x16x512xf32> to vector<16x512xf32>
    %swap3A_948 = vector.shape_cast %slice3A_942 : vector<16x512xf32> to vector<1x16x512xf32>
    tpu.vector_store %arg4[%swap3A_943, %swap3A_944, %swap3A_945], %swap3A_948 {strides = array<i32>} : memref<8x34x4096xf32, #tpu.memory_space<vmem>>, vector<1x16x512xf32>,
    %slice3A_949 = vector.extract_strided_slice %transpose3A {offsets = [96, 3072], sizes = [16, 512], strides = [1, 1]} : vector<128x4096xf32> to vector<16x512xf32>
    %swap3A_950 = arith.constant 6 : index
    %swap3A_951 = arith.constant 0 : index
    %swap3A_952 = arith.constant 3072 : index
    %swap3A_953 = vector.load %arg4[%swap3A_950, %swap3A_951, %swap3A_952] : memref<8x34x4096xf32, #tpu.memory_space<vmem>>, vector<1x16x512xf32>
    %swap3A_954 = vector.shape_cast %swap3A_953 : vector<1x16x512xf32> to vector<16x512xf32>
    %swap3A_955 = vector.shape_cast %slice3A_949 : vector<16x512xf32> to vector<1x16x512xf32>
    tpu.vector_store %arg4[%swap3A_950, %swap3A_951, %swap3A_952], %swap3A_955 {strides = array<i32>} : memref<8x34x4096xf32, #tpu.memory_space<vmem>>, vector<1x16x512xf32>,
    %slice3A_956 = vector.extract_strided_slice %transpose3A_5 {offsets = [96, 3072], sizes = [16, 512], strides = [1, 1]} : vector<128x4096xf32> to vector<16x512xf32>
    %swap3A_957 = arith.constant 6 : index
    %swap3A_958 = arith.constant 16 : index
    %swap3A_959 = arith.constant 3072 : index
    %swap3A_960 = vector.load %arg4[%swap3A_957, %swap3A_958, %swap3A_959] : memref<8x34x4096xf32, #tpu.memory_space<vmem>>, vector<1x16x512xf32>
    %swap3A_961 = vector.shape_cast %swap3A_960 : vector<1x16x512xf32> to vector<16x512xf32>
    %swap3A_962 = vector.shape_cast %slice3A_956 : vector<16x512xf32> to vector<1x16x512xf32>
    tpu.vector_store %arg4[%swap3A_957, %swap3A_958, %swap3A_959], %swap3A_962 {strides = array<i32>} : memref<8x34x4096xf32, #tpu.memory_space<vmem>>, vector<1x16x512xf32>,
    %slice3A_963 = vector.extract_strided_slice %transpose3A {offsets = [112, 3072], sizes = [16, 512], strides = [1, 1]} : vector<128x4096xf32> to vector<16x512xf32>
    %swap3A_964 = arith.constant 6 : index
    %swap3A_965 = arith.constant 0 : index
    %swap3A_966 = arith.constant 3584 : index
    %swap3A_967 = vector.load %arg4[%swap3A_964, %swap3A_965, %swap3A_966] : memref<8x34x4096xf32, #tpu.memory_space<vmem>>, vector<1x16x512xf32>
    %swap3A_968 = vector.shape_cast %swap3A_967 : vector<1x16x512xf32> to vector<16x512xf32>
    %swap3A_969 = vector.shape_cast %slice3A_963 : vector<16x512xf32> to vector<1x16x512xf32>
    tpu.vector_store %arg4[%swap3A_964, %swap3A_965, %swap3A_966], %swap3A_969 {strides = array<i32>} : memref<8x34x4096xf32, #tpu.memory_space<vmem>>, vector<1x16x512xf32>,
    %slice3A_970 = vector.extract_strided_slice %transpose3A_5 {offsets = [112, 3072], sizes = [16, 512], strides = [1, 1]} : vector<128x4096xf32> to vector<16x512xf32>
    %swap3A_971 = arith.constant 6 : index
    %swap3A_972 = arith.constant 16 : index
    %swap3A_973 = arith.constant 3584 : index
    %swap3A_974 = vector.load %arg4[%swap3A_971, %swap3A_972, %swap3A_973] : memref<8x34x4096xf32, #tpu.memory_space<vmem>>, vector<1x16x512xf32>
    %swap3A_975 = vector.shape_cast %swap3A_974 : vector<1x16x512xf32> to vector<16x512xf32>
    %swap3A_976 = vector.shape_cast %slice3A_970 : vector<16x512xf32> to vector<1x16x512xf32>
    tpu.vector_store %arg4[%swap3A_971, %swap3A_972, %swap3A_973], %swap3A_976 {strides = array<i32>} : memref<8x34x4096xf32, #tpu.memory_space<vmem>>, vector<1x16x512xf32>,
    %get3A_977 = arith.constant 0 : index
    %get3A_978 = arith.constant 6 : index
    %get3A_979 = arith.constant 0 : index
    %get3A_980 = arith.constant 0 : index
    %get3A_981 = vector.load %arg3[%get3A_977, %get3A_978, %get3A_979, %get3A_980] : memref<2x8x1x4096xi32, #tpu.memory_space<vmem>>, vector<1x1x1x4096xi32>
    %get3A_982 = vector.shape_cast %get3A_981 : vector<1x1x1x4096xi32> to vector<4096xi32>
    %convert_element_type3A_983 = arith.sitofp %get3A_982 : vector<4096xi32> to vector<4096xf32>
    %mul3A_984 = arith.constant 1.000010e-05 : f32
    %mul3A_985 = vector.broadcast %mul3A_984 : f32 to vector<4096xf32>
    %mul3A_986 = arith.mulf %convert_element_type3A_983, %mul3A_985 : vector<4096xf32>
    %swap3A_987 = arith.constant 6 : index
    %swap3A_988 = arith.constant 32 : index
    %swap3A_989 = arith.constant 0 : index
    %swap3A_990 = vector.load %arg4[%swap3A_987, %swap3A_988, %swap3A_989] : memref<8x34x4096xf32, #tpu.memory_space<vmem>>, vector<1x1x4096xf32>
    %swap3A_991 = vector.shape_cast %swap3A_990 : vector<1x1x4096xf32> to vector<4096xf32>
    %swap3A_992 = vector.shape_cast %mul3A_986 : vector<4096xf32> to vector<1x1x4096xf32>
    tpu.vector_store %arg4[%swap3A_987, %swap3A_988, %swap3A_989], %swap3A_992 {strides = array<i32>} : memref<8x34x4096xf32, #tpu.memory_space<vmem>>, vector<1x1x4096xf32>,
    %get3A_993 = arith.constant 1 : index
    %get3A_994 = arith.constant 6 : index
    %get3A_995 = arith.constant 0 : index
    %get3A_996 = arith.constant 0 : index
    %get3A_997 = vector.load %arg3[%get3A_993, %get3A_994, %get3A_995, %get3A_996] : memref<2x8x1x4096xi32, #tpu.memory_space<vmem>>, vector<1x1x1x4096xi32>
    %get3A_998 = vector.shape_cast %get3A_997 : vector<1x1x1x4096xi32> to vector<4096xi32>
    %and3A_999 = arith.constant 1 : i32
    %and3A_1000 = vector.broadcast %and3A_999 : i32 to vector<4096xi32>
    %and3A_1001 = arith.andi %get3A_998, %and3A_1000 : vector<4096xi32>
    %convert_element_type3A_1002 = arith.sitofp %and3A_1001 : vector<4096xi32> to vector<4096xf32>
    %swap3A_1003 = arith.constant 6 : index
    %swap3A_1004 = arith.constant 33 : index
    %swap3A_1005 = arith.constant 0 : index
    %swap3A_1006 = vector.load %arg4[%swap3A_1003, %swap3A_1004, %swap3A_1005] : memref<8x34x4096xf32, #tpu.memory_space<vmem>>, vector<1x1x4096xf32>
    %swap3A_1007 = vector.shape_cast %swap3A_1006 : vector<1x1x4096xf32> to vector<4096xf32>
    %swap3A_1008 = vector.shape_cast %convert_element_type3A_1002 : vector<4096xf32> to vector<1x1x4096xf32>
    tpu.vector_store %arg4[%swap3A_1003, %swap3A_1004, %swap3A_1005], %swap3A_1008 {strides = array<i32>} : memref<8x34x4096xf32, #tpu.memory_space<vmem>>, vector<1x1x4096xf32>,
    %slice3A_1009 = vector.extract_strided_slice %transpose3A {offsets = [0, 3584], sizes = [16, 512], strides = [1, 1]} : vector<128x4096xf32> to vector<16x512xf32>
    %swap3A_1010 = arith.constant 7 : index
    %swap3A_1011 = arith.constant 0 : index
    %swap3A_1012 = arith.constant 0 : index
    %swap3A_1013 = vector.load %arg4[%swap3A_1010, %swap3A_1011, %swap3A_1012] : memref<8x34x4096xf32, #tpu.memory_space<vmem>>, vector<1x16x512xf32>
    %swap3A_1014 = vector.shape_cast %swap3A_1013 : vector<1x16x512xf32> to vector<16x512xf32>
    %swap3A_1015 = vector.shape_cast %slice3A_1009 : vector<16x512xf32> to vector<1x16x512xf32>
    tpu.vector_store %arg4[%swap3A_1010, %swap3A_1011, %swap3A_1012], %swap3A_1015 {strides = array<i32>} : memref<8x34x4096xf32, #tpu.memory_space<vmem>>, vector<1x16x512xf32>,
    %slice3A_1016 = vector.extract_strided_slice %transpose3A_5 {offsets = [0, 3584], sizes = [16, 512], strides = [1, 1]} : vector<128x4096xf32> to vector<16x512xf32>
    %swap3A_1017 = arith.constant 7 : index
    %swap3A_1018 = arith.constant 16 : index
    %swap3A_1019 = arith.constant 0 : index
    %swap3A_1020 = vector.load %arg4[%swap3A_1017, %swap3A_1018, %swap3A_1019] : memref<8x34x4096xf32, #tpu.memory_space<vmem>>, vector<1x16x512xf32>
    %swap3A_1021 = vector.shape_cast %swap3A_1020 : vector<1x16x512xf32> to vector<16x512xf32>
    %swap3A_1022 = vector.shape_cast %slice3A_1016 : vector<16x512xf32> to vector<1x16x512xf32>
    tpu.vector_store %arg4[%swap3A_1017, %swap3A_1018, %swap3A_1019], %swap3A_1022 {strides = array<i32>} : memref<8x34x4096xf32, #tpu.memory_space<vmem>>, vector<1x16x512xf32>,
    %slice3A_1023 = vector.extract_strided_slice %transpose3A {offsets = [16, 3584], sizes = [16, 512], strides = [1, 1]} : vector<128x4096xf32> to vector<16x512xf32>
    %swap3A_1024 = arith.constant 7 : index
    %swap3A_1025 = arith.constant 0 : index
    %swap3A_1026 = arith.constant 512 : index
    %swap3A_1027 = vector.load %arg4[%swap3A_1024, %swap3A_1025, %swap3A_1026] : memref<8x34x4096xf32, #tpu.memory_space<vmem>>, vector<1x16x512xf32>
    %swap3A_1028 = vector.shape_cast %swap3A_1027 : vector<1x16x512xf32> to vector<16x512xf32>
    %swap3A_1029 = vector.shape_cast %slice3A_1023 : vector<16x512xf32> to vector<1x16x512xf32>
    tpu.vector_store %arg4[%swap3A_1024, %swap3A_1025, %swap3A_1026], %swap3A_1029 {strides = array<i32>} : memref<8x34x4096xf32, #tpu.memory_space<vmem>>, vector<1x16x512xf32>,
    %slice3A_1030 = vector.extract_strided_slice %transpose3A_5 {offsets = [16, 3584], sizes = [16, 512], strides = [1, 1]} : vector<128x4096xf32> to vector<16x512xf32>
    %swap3A_1031 = arith.constant 7 : index
    %swap3A_1032 = arith.constant 16 : index
    %swap3A_1033 = arith.constant 512 : index
    %swap3A_1034 = vector.load %arg4[%swap3A_1031, %swap3A_1032, %swap3A_1033] : memref<8x34x4096xf32, #tpu.memory_space<vmem>>, vector<1x16x512xf32>
    %swap3A_1035 = vector.shape_cast %swap3A_1034 : vector<1x16x512xf32> to vector<16x512xf32>
    %swap3A_1036 = vector.shape_cast %slice3A_1030 : vector<16x512xf32> to vector<1x16x512xf32>
    tpu.vector_store %arg4[%swap3A_1031, %swap3A_1032, %swap3A_1033], %swap3A_1036 {strides = array<i32>} : memref<8x34x4096xf32, #tpu.memory_space<vmem>>, vector<1x16x512xf32>,
    %slice3A_1037 = vector.extract_strided_slice %transpose3A {offsets = [32, 3584], sizes = [16, 512], strides = [1, 1]} : vector<128x4096xf32> to vector<16x512xf32>
    %swap3A_1038 = arith.constant 7 : index
    %swap3A_1039 = arith.constant 0 : index
    %swap3A_1040 = arith.constant 1024 : index
    %swap3A_1041 = vector.load %arg4[%swap3A_1038, %swap3A_1039, %swap3A_1040] : memref<8x34x4096xf32, #tpu.memory_space<vmem>>, vector<1x16x512xf32>
    %swap3A_1042 = vector.shape_cast %swap3A_1041 : vector<1x16x512xf32> to vector<16x512xf32>
    %swap3A_1043 = vector.shape_cast %slice3A_1037 : vector<16x512xf32> to vector<1x16x512xf32>
    tpu.vector_store %arg4[%swap3A_1038, %swap3A_1039, %swap3A_1040], %swap3A_1043 {strides = array<i32>} : memref<8x34x4096xf32, #tpu.memory_space<vmem>>, vector<1x16x512xf32>,
    %slice3A_1044 = vector.extract_strided_slice %transpose3A_5 {offsets = [32, 3584], sizes = [16, 512], strides = [1, 1]} : vector<128x4096xf32> to vector<16x512xf32>
    %swap3A_1045 = arith.constant 7 : index
    %swap3A_1046 = arith.constant 16 : index
    %swap3A_1047 = arith.constant 1024 : index
    %swap3A_1048 = vector.load %arg4[%swap3A_1045, %swap3A_1046, %swap3A_1047] : memref<8x34x4096xf32, #tpu.memory_space<vmem>>, vector<1x16x512xf32>
    %swap3A_1049 = vector.shape_cast %swap3A_1048 : vector<1x16x512xf32> to vector<16x512xf32>
    %swap3A_1050 = vector.shape_cast %slice3A_1044 : vector<16x512xf32> to vector<1x16x512xf32>
    tpu.vector_store %arg4[%swap3A_1045, %swap3A_1046, %swap3A_1047], %swap3A_1050 {strides = array<i32>} : memref<8x34x4096xf32, #tpu.memory_space<vmem>>, vector<1x16x512xf32>,
    %slice3A_1051 = vector.extract_strided_slice %transpose3A {offsets = [48, 3584], sizes = [16, 512], strides = [1, 1]} : vector<128x4096xf32> to vector<16x512xf32>
    %swap3A_1052 = arith.constant 7 : index
    %swap3A_1053 = arith.constant 0 : index
    %swap3A_1054 = arith.constant 1536 : index
    %swap3A_1055 = vector.load %arg4[%swap3A_1052, %swap3A_1053, %swap3A_1054] : memref<8x34x4096xf32, #tpu.memory_space<vmem>>, vector<1x16x512xf32>
    %swap3A_1056 = vector.shape_cast %swap3A_1055 : vector<1x16x512xf32> to vector<16x512xf32>
    %swap3A_1057 = vector.shape_cast %slice3A_1051 : vector<16x512xf32> to vector<1x16x512xf32>
    tpu.vector_store %arg4[%swap3A_1052, %swap3A_1053, %swap3A_1054], %swap3A_1057 {strides = array<i32>} : memref<8x34x4096xf32, #tpu.memory_space<vmem>>, vector<1x16x512xf32>,
    %slice3A_1058 = vector.extract_strided_slice %transpose3A_5 {offsets = [48, 3584], sizes = [16, 512], strides = [1, 1]} : vector<128x4096xf32> to vector<16x512xf32>
    %swap3A_1059 = arith.constant 7 : index
    %swap3A_1060 = arith.constant 16 : index
    %swap3A_1061 = arith.constant 1536 : index
    %swap3A_1062 = vector.load %arg4[%swap3A_1059, %swap3A_1060, %swap3A_1061] : memref<8x34x4096xf32, #tpu.memory_space<vmem>>, vector<1x16x512xf32>
    %swap3A_1063 = vector.shape_cast %swap3A_1062 : vector<1x16x512xf32> to vector<16x512xf32>
    %swap3A_1064 = vector.shape_cast %slice3A_1058 : vector<16x512xf32> to vector<1x16x512xf32>
    tpu.vector_store %arg4[%swap3A_1059, %swap3A_1060, %swap3A_1061], %swap3A_1064 {strides = array<i32>} : memref<8x34x4096xf32, #tpu.memory_space<vmem>>, vector<1x16x512xf32>,
    %slice3A_1065 = vector.extract_strided_slice %transpose3A {offsets = [64, 3584], sizes = [16, 512], strides = [1, 1]} : vector<128x4096xf32> to vector<16x512xf32>
    %swap3A_1066 = arith.constant 7 : index
    %swap3A_1067 = arith.constant 0 : index
    %swap3A_1068 = arith.constant 2048 : index
    %swap3A_1069 = vector.load %arg4[%swap3A_1066, %swap3A_1067, %swap3A_1068] : memref<8x34x4096xf32, #tpu.memory_space<vmem>>, vector<1x16x512xf32>
    %swap3A_1070 = vector.shape_cast %swap3A_1069 : vector<1x16x512xf32> to vector<16x512xf32>
    %swap3A_1071 = vector.shape_cast %slice3A_1065 : vector<16x512xf32> to vector<1x16x512xf32>
    tpu.vector_store %arg4[%swap3A_1066, %swap3A_1067, %swap3A_1068], %swap3A_1071 {strides = array<i32>} : memref<8x34x4096xf32, #tpu.memory_space<vmem>>, vector<1x16x512xf32>,
    %slice3A_1072 = vector.extract_strided_slice %transpose3A_5 {offsets = [64, 3584], sizes = [16, 512], strides = [1, 1]} : vector<128x4096xf32> to vector<16x512xf32>
    %swap3A_1073 = arith.constant 7 : index
    %swap3A_1074 = arith.constant 16 : index
    %swap3A_1075 = arith.constant 2048 : index
    %swap3A_1076 = vector.load %arg4[%swap3A_1073, %swap3A_1074, %swap3A_1075] : memref<8x34x4096xf32, #tpu.memory_space<vmem>>, vector<1x16x512xf32>
    %swap3A_1077 = vector.shape_cast %swap3A_1076 : vector<1x16x512xf32> to vector<16x512xf32>
    %swap3A_1078 = vector.shape_cast %slice3A_1072 : vector<16x512xf32> to vector<1x16x512xf32>
    tpu.vector_store %arg4[%swap3A_1073, %swap3A_1074, %swap3A_1075], %swap3A_1078 {strides = array<i32>} : memref<8x34x4096xf32, #tpu.memory_space<vmem>>, vector<1x16x512xf32>,
    %slice3A_1079 = vector.extract_strided_slice %transpose3A {offsets = [80, 3584], sizes = [16, 512], strides = [1, 1]} : vector<128x4096xf32> to vector<16x512xf32>
    %swap3A_1080 = arith.constant 7 : index
    %swap3A_1081 = arith.constant 0 : index
    %swap3A_1082 = arith.constant 2560 : index
    %swap3A_1083 = vector.load %arg4[%swap3A_1080, %swap3A_1081, %swap3A_1082] : memref<8x34x4096xf32, #tpu.memory_space<vmem>>, vector<1x16x512xf32>
    %swap3A_1084 = vector.shape_cast %swap3A_1083 : vector<1x16x512xf32> to vector<16x512xf32>
    %swap3A_1085 = vector.shape_cast %slice3A_1079 : vector<16x512xf32> to vector<1x16x512xf32>
    tpu.vector_store %arg4[%swap3A_1080, %swap3A_1081, %swap3A_1082], %swap3A_1085 {strides = array<i32>} : memref<8x34x4096xf32, #tpu.memory_space<vmem>>, vector<1x16x512xf32>,
    %slice3A_1086 = vector.extract_strided_slice %transpose3A_5 {offsets = [80, 3584], sizes = [16, 512], strides = [1, 1]} : vector<128x4096xf32> to vector<16x512xf32>
    %swap3A_1087 = arith.constant 7 : index
    %swap3A_1088 = arith.constant 16 : index
    %swap3A_1089 = arith.constant 2560 : index
    %swap3A_1090 = vector.load %arg4[%swap3A_1087, %swap3A_1088, %swap3A_1089] : memref<8x34x4096xf32, #tpu.memory_space<vmem>>, vector<1x16x512xf32>
    %swap3A_1091 = vector.shape_cast %swap3A_1090 : vector<1x16x512xf32> to vector<16x512xf32>
    %swap3A_1092 = vector.shape_cast %slice3A_1086 : vector<16x512xf32> to vector<1x16x512xf32>
    tpu.vector_store %arg4[%swap3A_1087, %swap3A_1088, %swap3A_1089], %swap3A_1092 {strides = array<i32>} : memref<8x34x4096xf32, #tpu.memory_space<vmem>>, vector<1x16x512xf32>,
    %slice3A_1093 = vector.extract_strided_slice %transpose3A {offsets = [96, 3584], sizes = [16, 512], strides = [1, 1]} : vector<128x4096xf32> to vector<16x512xf32>
    %swap3A_1094 = arith.constant 7 : index
    %swap3A_1095 = arith.constant 0 : index
    %swap3A_1096 = arith.constant 3072 : index
    %swap3A_1097 = vector.load %arg4[%swap3A_1094, %swap3A_1095, %swap3A_1096] : memref<8x34x4096xf32, #tpu.memory_space<vmem>>, vector<1x16x512xf32>
    %swap3A_1098 = vector.shape_cast %swap3A_1097 : vector<1x16x512xf32> to vector<16x512xf32>
    %swap3A_1099 = vector.shape_cast %slice3A_1093 : vector<16x512xf32> to vector<1x16x512xf32>
    tpu.vector_store %arg4[%swap3A_1094, %swap3A_1095, %swap3A_1096], %swap3A_1099 {strides = array<i32>} : memref<8x34x4096xf32, #tpu.memory_space<vmem>>, vector<1x16x512xf32>,
    %slice3A_1100 = vector.extract_strided_slice %transpose3A_5 {offsets = [96, 3584], sizes = [16, 512], strides = [1, 1]} : vector<128x4096xf32> to vector<16x512xf32>
    %swap3A_1101 = arith.constant 7 : index
    %swap3A_1102 = arith.constant 16 : index
    %swap3A_1103 = arith.constant 3072 : index
    %swap3A_1104 = vector.load %arg4[%swap3A_1101, %swap3A_1102, %swap3A_1103] : memref<8x34x4096xf32, #tpu.memory_space<vmem>>, vector<1x16x512xf32>
    %swap3A_1105 = vector.shape_cast %swap3A_1104 : vector<1x16x512xf32> to vector<16x512xf32>
    %swap3A_1106 = vector.shape_cast %slice3A_1100 : vector<16x512xf32> to vector<1x16x512xf32>
    tpu.vector_store %arg4[%swap3A_1101, %swap3A_1102, %swap3A_1103], %swap3A_1106 {strides = array<i32>} : memref<8x34x4096xf32, #tpu.memory_space<vmem>>, vector<1x16x512xf32>,
    %slice3A_1107 = vector.extract_strided_slice %transpose3A {offsets = [112, 3584], sizes = [16, 512], strides = [1, 1]} : vector<128x4096xf32> to vector<16x512xf32>
    %swap3A_1108 = arith.constant 7 : index
    %swap3A_1109 = arith.constant 0 : index
    %swap3A_1110 = arith.constant 3584 : index
    %swap3A_1111 = vector.load %arg4[%swap3A_1108, %swap3A_1109, %swap3A_1110] : memref<8x34x4096xf32, #tpu.memory_space<vmem>>, vector<1x16x512xf32>
    %swap3A_1112 = vector.shape_cast %swap3A_1111 : vector<1x16x512xf32> to vector<16x512xf32>
    %swap3A_1113 = vector.shape_cast %slice3A_1107 : vector<16x512xf32> to vector<1x16x512xf32>
    tpu.vector_store %arg4[%swap3A_1108, %swap3A_1109, %swap3A_1110], %swap3A_1113 {strides = array<i32>} : memref<8x34x4096xf32, #tpu.memory_space<vmem>>, vector<1x16x512xf32>,
    %slice3A_1114 = vector.extract_strided_slice %transpose3A_5 {offsets = [112, 3584], sizes = [16, 512], strides = [1, 1]} : vector<128x4096xf32> to vector<16x512xf32>
    %swap3A_1115 = arith.constant 7 : index
    %swap3A_1116 = arith.constant 16 : index
    %swap3A_1117 = arith.constant 3584 : index
    %swap3A_1118 = vector.load %arg4[%swap3A_1115, %swap3A_1116, %swap3A_1117] : memref<8x34x4096xf32, #tpu.memory_space<vmem>>, vector<1x16x512xf32>
    %swap3A_1119 = vector.shape_cast %swap3A_1118 : vector<1x16x512xf32> to vector<16x512xf32>
    %swap3A_1120 = vector.shape_cast %slice3A_1114 : vector<16x512xf32> to vector<1x16x512xf32>
    tpu.vector_store %arg4[%swap3A_1115, %swap3A_1116, %swap3A_1117], %swap3A_1120 {strides = array<i32>} : memref<8x34x4096xf32, #tpu.memory_space<vmem>>, vector<1x16x512xf32>,
    %get3A_1121 = arith.constant 0 : index
    %get3A_1122 = arith.constant 7 : index
    %get3A_1123 = arith.constant 0 : index
    %get3A_1124 = arith.constant 0 : index
    %get3A_1125 = vector.load %arg3[%get3A_1121, %get3A_1122, %get3A_1123, %get3A_1124] : memref<2x8x1x4096xi32, #tpu.memory_space<vmem>>, vector<1x1x1x4096xi32>
    %get3A_1126 = vector.shape_cast %get3A_1125 : vector<1x1x1x4096xi32> to vector<4096xi32>
    %convert_element_type3A_1127 = arith.sitofp %get3A_1126 : vector<4096xi32> to vector<4096xf32>
    %mul3A_1128 = arith.constant 1.000010e-05 : f32
    %mul3A_1129 = vector.broadcast %mul3A_1128 : f32 to vector<4096xf32>
    %mul3A_1130 = arith.mulf %convert_element_type3A_1127, %mul3A_1129 : vector<4096xf32>
    %swap3A_1131 = arith.constant 7 : index
    %swap3A_1132 = arith.constant 32 : index
    %swap3A_1133 = arith.constant 0 : index
    %swap3A_1134 = vector.load %arg4[%swap3A_1131, %swap3A_1132, %swap3A_1133] : memref<8x34x4096xf32, #tpu.memory_space<vmem>>, vector<1x1x4096xf32>
    %swap3A_1135 = vector.shape_cast %swap3A_1134 : vector<1x1x4096xf32> to vector<4096xf32>
    %swap3A_1136 = vector.shape_cast %mul3A_1130 : vector<4096xf32> to vector<1x1x4096xf32>
    tpu.vector_store %arg4[%swap3A_1131, %swap3A_1132, %swap3A_1133], %swap3A_1136 {strides = array<i32>} : memref<8x34x4096xf32, #tpu.memory_space<vmem>>, vector<1x1x4096xf32>,
    %get3A_1137 = arith.constant 1 : index
    %get3A_1138 = arith.constant 7 : index
    %get3A_1139 = arith.constant 0 : index
    %get3A_1140 = arith.constant 0 : index
    %get3A_1141 = vector.load %arg3[%get3A_1137, %get3A_1138, %get3A_1139, %get3A_1140] : memref<2x8x1x4096xi32, #tpu.memory_space<vmem>>, vector<1x1x1x4096xi32>
    %get3A_1142 = vector.shape_cast %get3A_1141 : vector<1x1x1x4096xi32> to vector<4096xi32>
    %and3A_1143 = arith.constant 1 : i32
    %and3A_1144 = vector.broadcast %and3A_1143 : i32 to vector<4096xi32>
    %and3A_1145 = arith.andi %get3A_1142, %and3A_1144 : vector<4096xi32>
    %convert_element_type3A_1146 = arith.sitofp %and3A_1145 : vector<4096xi32> to vector<4096xf32>
    %swap3A_1147 = arith.constant 7 : index
    %swap3A_1148 = arith.constant 33 : index
    %swap3A_1149 = arith.constant 0 : index
    %swap3A_1150 = vector.load %arg4[%swap3A_1147, %swap3A_1148, %swap3A_1149] : memref<8x34x4096xf32, #tpu.memory_space<vmem>>, vector<1x1x4096xf32>
    %swap3A_1151 = vector.shape_cast %swap3A_1150 : vector<1x1x4096xf32> to vector<4096xf32>
    %swap3A_1152 = vector.shape_cast %convert_element_type3A_1146 : vector<4096xf32> to vector<1x1x4096xf32>
    tpu.vector_store %arg4[%swap3A_1147, %swap3A_1148, %swap3A_1149], %swap3A_1152 {strides = array<i32>} : memref<8x34x4096xf32, #tpu.memory_space<vmem>>, vector<1x1x4096xf32>,
    return
  }
  func.func @transform_0(%arg0: i32) -> (i32, i32) {
    %c0_i32 = arith.constant 0 : i32
    %c0_i32_0 = arith.constant 0 : i32
    return %arg0, %c0_i32 : i32, i32
  }
  func.func @transform_1(%arg0: i32) -> (i32, i32) {
    %c0_i32 = arith.constant 0 : i32
    %c0_i32_0 = arith.constant 0 : i32
    return %arg0, %c0_i32 : i32, i32
  }
  func.func @transform_2(%arg0: i32) -> (i32, i32, i32, i32) {
    %c0_i32 = arith.constant 0 : i32
    %c0_i32_0 = arith.constant 0 : i32
    %c0_i32_1 = arith.constant 0 : i32
    %c0_i32_2 = arith.constant 0 : i32
    return %c0_i32, %arg0, %c0_i32_0, %c0_i32_1 : i32, i32, i32, i32
  }
  func.func @transform_3(%arg0: i32) -> (i32, i32, i32) {
    %c0_i32 = arith.constant 0 : i32
    %c0_i32_0 = arith.constant 0 : i32
    %c0_i32_1 = arith.constant 0 : i32
    return %arg0, %c0_i32, %c0_i32_0 : i32, i32, i32
  }
}

</mosaic_0001>

<sc_bundles>
// kernel: kernel.4.cloned.1.call-start
scs
__scs_entry_jumppad:
0x0: {  	(pc) =	sbr.rel $0x88, $3  }
0x1: {  	(tag) =	ssettag $0x0;
	lr =	simm.s32 $0x1  }
0x2: {  	[smem:$0x3F9E] =	sst lr;
	_ =	strace $0xD0000000  }
0x3: {  	_ = 	snop  }
0x4: {  	_ = 	snop  }
0x5: {  	_ = 	snop  }
0x6: {  	_ = 	snop  }
0x7: {  	_ = 	snop  }
__scs_overlays_trampoline_lowered:
0x8: {  	[smem:$0x3FAD] =	sst s0  }
0x9: {  	[smem:$0x3FAE] =	sst s1  }
0xa: {  	[smem:$0x3FAF] =	sst s2  }
0xb: {  	[smem:$0x3FB0] =	sst s3  }
0xc: {  	[smem:$0x3FB1] =	sst s4  }
0xd: {  	[smem:$0x3FB2] =	sst s5  }
0xe: {  	[smem:$0x3FB3] =	sst s6  }
0xf: {  	[smem:$0x3FB4] =	sst s7  }
0x10: {  	[smem:$0x3FB5] =	sst s8  }
0x11: {  	[smem:$0x3FB6] =	sst s9;
	s0 =	simm.s32 @!p0 $0x0  }
0x12: {  	s1 =	sld [smem:$0x3F9C];
	s0 =	simm.s32 @p0 $0x1  }
0x13: {  	[smem:$0x3FB7] =	sst s0;
	s0 =	simm.s32 @!p1 $0x0  }
0x14: {  	s2 =	sld [smem:$0x3F9B];
	s0 =	simm.s32 @p1 $0x1  }
0x15: {  	[smem:$0x3FB8] =	sst s0;
	s0 =	simm.s32 @!p2 $0x0  }
0x16: {  	s3 =	sld [smem:$0x3FDB];
	s0 =	simm.s32 @p2 $0x1  }
0x17: {  	s4 =	simm.s32 $0x1BF5;
	[smem:$0x3FBA] =	sst s0  }
0x18: {  	s0 =	sld [smem:$0x3F9D];
	_ =	swait.ge [sflag:s4], $0x0  }
0x19: {  	s7 =	sld [smem:$0x3F9E]  }
0x1a: {  	s8 =	sadd.s32 $0xFFFFE003, lr  }
0x1b: {  	s9 =	sadd.s32 $0xFFFFFEF7, lr;
	s5 =	simm.s32 $0xFFFFFFFF;
	p2 =	slt.u32 s8, $0xFFFFF086  }
0x1c: {  	p1 =	slt.u32 s9, $0xF7A;
	s5 =	simm.s32 @!p2 $0x0  }
0x1d: {  	s5 =	simm.s32 @p1 $0x1;
	p0 =	seq.s32 s7, s2  }
0x1e: {  	s7 =	smul.u32 @!p0 $0xF7A, s2;
	p2 =	seq.s32 @!p0 s5, $0x0  }
0x1f: {  	s9 =	smul.u32 $0xF7A, s1;
	s8 =	simm.s32 @!p0 $0x1BF5;
	p2 =	por !p2, p0  }
0x20: {  	[sflag:s8] =	ssyncset.s32 @!p0 $0xFFFFF086;
	s6 =	sadd.s32 @!p0 s3, s7;
	s7 =	simm.s32 @!p0 $0x108  }
0x21: {  	s3 =	sadd.s32 s3, s9;
	s6 =	sadd.s32 @!p0 $0x88, s6;
	s7 =	simm.s32 @p2 $0x1082  }
0x22: {  	[simem:s7], [sflag:s8] =	dma.local @!p0 [hbm:s6], $0xF7A  }
0x23: {  	s9 =	sor.u32 $0xD0000000, s2;
	s6 =	simm.s32 $0x108;
	_ =	swait.ge @!p0 [sflag:s8], $0x0  }
0x24: {  	s3 =	sadd.s32 $0x88, s3;
	s6 =	simm.s32 @!p1 $0x1082;
	[sflag:s4] =	ssyncset.s32 $0xFFFFF086  }
0x25: {  	[simem:s6], [sflag:s4] =	dma.local [hbm:s3], $0xF7A  }
0x26: {  	[smem:$0x3F9E] =	sst s1;
	(tag) =	ssettag s2;
	_ =	strace s9  }
0x27: {  	s1 =	sld [smem:$0x3FAE]  }
0x28: {  	s2 =	sld [smem:$0x3FAF]  }
0x29: {  	s4 =	sld [smem:$0x3FB1]  }
0x2a: {  	p0 =	seq.s32 s5, $0x0;
	s5 =	sld [smem:$0x3FB2]  }
0x2b: {  	s6 =	sld [smem:$0x3FB3]  }
0x2c: {  	s7 =	sld [smem:$0x3FB4]  }
0x2d: {  	s3 =	simm.s32 $0x108;
	s8 =	sld [smem:$0x3FB5]  }
0x2e: {  	s3 =	simm.s32 @!p0 $0x1082;
	s9 =	sld [smem:$0x3FB6]  }
0x2f: {  	lr =	sadd.s32 s0, s3;
	s0 =	sld [smem:$0x3FAD]  }
0x30: {  	s3 =	sld [smem:$0x3FB0]  }
0x31: {  	[smem:$0x3FB9] =	sst s10  }
0x32: {  	s10 =	sld [smem:$0x3FB7];
	_ =	sdelay $0x3  }
0x33: {  	p0 =	seq.s32 s10, $0x1;
	s10 =	sld [smem:$0x3FB9];
	_ =	sdelay $0x3  }
0x34: {  	[smem:$0x3FB9] =	sst s10  }
0x35: {  	s10 =	sld [smem:$0x3FB8];
	_ =	sdelay $0x3  }
0x36: {  	p1 =	seq.s32 s10, $0x1;
	s10 =	sld [smem:$0x3FB9];
	_ =	sdelay $0x3  }
0x37: {  	[smem:$0x3FB9] =	sst s10  }
0x38: {  	s10 =	sld [smem:$0x3FBA]  }
0x39: {  	_ = 	snop;
	(pc) =	sbr.ind lr, $3  }
0x3a: {  	_ = 	snop  }
0x3b: {  	_ = 	snop  }
0x3c: {  	p2 =	seq.s32 s10, $0x1;
	s10 =	sld [smem:$0x3FB9]  }
0x3d: {  	_ =	shalt  }
0x3e: {  	_ =	shalt  }
0x3f: {  	_ =	shalt  }
0x40: {  	_ =	shalt  }
0x41: {  	_ =	shalt  }
0x42: {  	_ =	shalt  }
0x43: {  	_ =	shalt  }
0x44: {  	_ =	shalt  }
0x45: {  	_ =	shalt  }
0x46: {  	_ =	shalt  }
0x47: {  	_ =	shalt  }
0x48: {  	_ =	shalt  }
0x49: {  	_ =	shalt  }
0x4a: {  	_ =	shalt  }
0x4b: {  	_ =	shalt  }
0x4c: {  	_ =	shalt  }
0x4d: {  	_ =	shalt  }
0x4e: {  	_ =	shalt  }
0x4f: {  	_ =	shalt  }
0x50: {  	_ =	shalt  }
0x51: {  	_ =	shalt  }
0x52: {  	_ =	shalt  }
0x53: {  	_ =	shalt  }
0x54: {  	_ =	shalt  }
0x55: {  	_ =	shalt  }
0x56: {  	_ =	shalt  }
0x57: {  	_ =	shalt  }
0x58: {  	_ =	shalt  }
0x59: {  	_ =	shalt  }
0x5a: {  	_ =	shalt  }
0x5b: {  	_ =	shalt  }
0x5c: {  	_ =	shalt  }
0x5d: {  	_ =	shalt  }
0x5e: {  	_ =	shalt  }
0x5f: {  	_ =	shalt  }
0x60: {  	_ =	shalt  }
0x61: {  	_ =	shalt  }
0x62: {  	_ =	shalt  }
0x63: {  	_ =	shalt  }
0x64: {  	_ =	shalt  }
0x65: {  	_ =	shalt  }
0x66: {  	_ =	shalt  }
0x67: {  	_ =	shalt  }
0x68: {  	_ =	shalt  }
0x69: {  	_ =	shalt  }
0x6a: {  	_ =	shalt  }
0x6b: {  	_ =	shalt  }
0x6c: {  	_ =	shalt  }
0x6d: {  	_ =	shalt  }
0x6e: {  	_ =	shalt  }
0x6f: {  	_ =	shalt  }
0x70: {  	_ =	shalt  }
0x71: {  	_ =	shalt  }
0x72: {  	_ =	shalt  }
0x73: {  	_ =	shalt  }
0x74: {  	_ =	shalt  }
0x75: {  	_ =	shalt  }
0x76: {  	_ =	shalt  }
0x77: {  	_ =	shalt  }
0x78: {  	_ =	shalt  }
0x79: {  	_ =	shalt  }
0x7a: {  	_ =	shalt  }
0x7b: {  	_ =	shalt  }
0x7c: {  	_ =	shalt  }
0x7d: {  	_ =	shalt  }
0x7e: {  	_ =	shalt  }
0x7f: {  	_ =	shalt  }
0x80: {  	_ =	shalt  }
0x81: {  	_ =	shalt  }
0x82: {  	_ =	shalt  }
0x83: {  	_ =	shalt  }
0x84: {  	_ =	shalt  }
0x85: {  	_ =	shalt  }
0x86: {  	_ =	shalt  }
0x87: {  	_ =	shalt  }
.Lfunc_end0:
.L_simem_size_0:
called_computation_lowered:
.L_overlay_start_0:
0x88: {  	s2 =	sld [smem:$0x3FD9]  }
0x89: {  	s3 =	sld [smem:$0x3FFE];
	_ =	sdelay $0x1  }
0x8a: {  	s1 =	srdreg.scid  }
0x8b: {  	s0 =	sand.u32 $0x1, s1  }
0x8c: {  	s17 =	sshll.u32 s0, $0xA;
	s2 =	sadd.s32 s3, s2  }
0x8d: {  	s2 =	sadd.s32 s2, s17  }
0x8e: {  	[smem:$0x3FC5] =	sst s2  }
0x8f: {  	_ = 	snop  }
0x90: {  	s2 =	sld [smem:$0x3FD0];
	(tm) =	ssettm $0x1  }
0x91: {  	s18 =	sld [smem:$0x3FFB];
	_ =	sdelay $0x3  }
0x92: {  	_ =	strace s18  }
0x93: {  	s3 =	sld [smem:$0x3FFC];
	_ =	sdelay $0x3  }
0x94: {  	_ =	strace s3  }
0x95: {  	s3 =	sld [smem:$0x3FFD];
	_ =	sdelay $0x3  }
0x96: {  	_ =	strace s3  }
0x97: {  	_ =	strace $0x8FFFFFFF  }
0x98: {  	s19 =	sld [smem:$0x3FDB];
	_ =	sdelay $0x1  }
0x99: {  	s4 =	simm.s32 $_scs_section_size  }
0x9a: {  	s5 =	simm.s32 $_size__tile_overlayer_lowered;
	s6 =	simm.s32 $_tile_overlayer_lowered  }
0x9b: {  	s22 =	simm.s32 $0x1BFF;
	s21 =	sshll.u32 s6, $0x1;
	s3 =	sadd.s32 s4, s19  }
0x9c: {  	s7 =	simm.s32 $0x0;
	s20 =	sshll.u32 s5, $0x1;
	s5 =	sadd.s32 s21, s3  }
0x9d: {  	[timem:s7], [sflag:s22] =	dma.local [hbm:s5], s20  }
0x9e: {  	_ =	swait.ge [sflag:s22], s20  }
0x9f: {  	s4 =	ssub.s32 $0x0, s20;
	[sflag:s22] =	ssyncset.done $0x0  }
0xa0: {  	[sflag:s22] =	ssyncadd.s32 s4;
	_ =	sdelay $0x1  }
0xa1: {  	s23 =	simm.s32 $0x1B8B  }
0xa2: {  	_ =	swait.ge [sflag:s23], $0x1  }
0xa3: {  	[sflag:s23] =	ssyncset.done $0x0  }
0xa4: {  	s25 =	simm.s32 $0x1B8E;
	s24 =	sld [smem:$0x3FFE];
	[sflag:s23] =	ssyncadd.s32 $0xFFFFFFFF  }
0xa5: {  	s26 =	simm.s32 $execute0_lowered;
	[smem:$0x3FD2] =	sst s25  }
0xa6: {  	s5 =	sshll.u32 s26, $0x1;
	_ =	strace $0x80000046;
	[dreg:$0x1] =	wrdreg $0xFFFFFFFF  }
0xa7: {  	s28 =	simm.s32 $_size_execute0_lowered;
	s3 =	sadd.s32 s3, s5;
	[dreg:$0x0] =	wrdreg $0x0  }
0xa8: {  	s5 =	sshll.u32 s28, $0x1;
	[dreg:$0x2] =	wrdreg s3  }
0xa9: {  	[dreg:$0x3] =	wrdreg s5  }
0xaa: {  	[dreg:$0x4] =	wrdreg $0xC0  }
0xab: {  	_ =	task [dreg:s7], $0x5FFFF  }
0xac: {  	[dreg:$0x1] =	wrdreg $0xFFFFFFFF  }
0xad: {  	[dreg:$0x0] =	wrdreg $0x60  }
0xae: {  	[dreg:$0x2] =	wrdreg s24  }
0xaf: {  	[dreg:$0x3] =	wrdreg s2  }
0xb0: {  	[dreg:$0x4] =	wrdreg $0x9  }
0xb1: {  	_ =	task.clear_ibuf [dreg:s7], $0x5FFFF;
	_ =	strace $0x90000046  }
0xb2: {  	s29 =	simm.s32 $0x9;
	_ =	strace $0x80000051  }
0xb3: {  	_ =	swait.ge [sflag:s29], $0x1  }
0xb4: {  	[sflag:s29] =	ssyncadd.s32 $0xFFFFFFFF  }
0xb5: {  	_ =	strace $0x90000051  }
0xb6: {  	_ =	sfence  }
0xb7: {  	s30 =	sld [smem:$0x0];
	_ =	sdelay $0x2  }
0xb8: {  	s31 =	sshll.u32 s1, $0xD;
	s1 =	sshrl.u32 s1, $0x2  }
0xb9: {  	s3 =	sand.u32 $0x4000, s31;
	s1 =	sadd.s32 s1, s30  }
0xba: {  	s0 =	sor.u32 s3, s0;
	s1 =	sshll.u32 s1, $0x11  }
0xbb: {  	s0 =	sor.u32 s1, s0  }
0xbc: {  	s0 =	sadd.s32 $0x8F2B, s0  }
0xbd: {  	[sflag:s0] =	ssyncadd.remote.s32 $0x1  }
0xbe: {  	_ =	sfence.sel $0xFFFF  }
0xbf: {  	[dreg:$0x0] =	wrdreg $0xFFFFFFFF;
	(pc) =	sbr.abs _section_cstart, $3  }
0xc0: {  	[dreg:$0x1] =	wrdreg $0xFFFFFFFF  }
0xc1: {  	_ =	task.clear_ibuf [dreg:s7], $0x2FFFF;
	_ =	strace $0x9FFFFFFF  }
0xc2: {  	(tm) =	ssettm $0x7FFFFFFF  }
0xc3: {  	_ =	shalt  }
tec
execute0_lowered:
.L_overlay_start_1:
0x0: {  	(tag) =	ssettag $0x1  }
0x1: {  	s7 =	rddreg [dreg:$0x0]  }
0x2: {  	s1 =	rddreg [dreg:$0x1]  }
0x3: {  	s0 =	rddreg [dreg:$0x2]  }
0x4: {  	s2 =	simm.s32 $0x0;
	s3 =	srdreg.scid;
	s12 =	simm.s32 $0x100000  }
0x5: {  	s13 =	simm.s32 $0x1;
	s14 =	simm.s32 $0x2;
	s15 =	simm.s32 $0x0  }
0x6: {  	[smem:$0x7FF] =	sst s2;
	s4 =	sadd.s32 $0x2200, s7;
	s8 =	sand.u32 $0x1, s3  }
0x7: {  	s5 =	sadd.s32 $0x33000, s7;
	s3 =	stileid.u32;
	s6 =	sadd.s32 $0x63E00, s7  }
0x8: {  	s7 =	sadd.s32 $0xA3E00, s7;
	s9 =	sshll.u32 s8, $0x4;
	s8 =	ssub.s32 $0x2, s8  }
0x9: {  	_ =	strace $0x80000047;
	s9 =	sor.u32 s3, s9;
	s10 =	sshrl.u32 s8, $0x1  }
0xa: {  	s11 =	sshll.u32 s9, $0xC;
	s10 =	ssub.s32 s8, s10;
	s8 =	sshll.u32 s9, $0x8  }
0xb: {  	s9 =	sadd.s32 s6, s11;
	s10 =	smax.u32 s10, $0x1;
	s11 =	simm.s32 $0x80  }
.LBB2_1:
0xc: {  	_ =	strace $0x80000048  }
0xd: {  	s17 =	simm.s32 $0x100;
	s24 =	simm.s32 $0x0;
	s16 =	simm.s32 $0x0  }
0xe: {  	s18 =	simm.s32 $0x0;
	s22 =	simm.s32 $0x0;
	s19 =	simm.s32 $0x0  }
0xf: {  	[tilespmem:s2], [sflag:$0x3] =	stream.strided.gather [hbm4b:s9+s11], $0x100, s12, s11, $0x200038;
	[tilespmem:$0x2200] =	vst v63  }
0x10: {  	s20 =	simm.s32 $0x0;
	s21 =	simm.s32 $0x1;
	_ =	strace $0x90000048  }
.LBB2_2:
0x11: {  	s23 =	sadd.s32 $0x1, s24  }
0x12: {  	p0 =	seq.s32 s23, $0x100  }
0x13: {  	s23 =	simm.s32 @p0 $0x0  }
0x14: {  	p1 =	sne.s32 s17, $0x1;
	p0 =	sne.s32 s24, s23  }
0x15: {  	p0 =	por !p1, !p0  }
0x16: {  	p0 =	por !p0, !p0  }
0x17: {  	s25 =	sadd.s32 @p0 s8, s23  }
0x18: {  	_ =	strace @p0 $0x80000049;
	s26 =	sand.u32 @p0 $0x1, s21;
	s25 =	sshll.u32 @p0 s25, $0x4  }
0x19: {  	s29 =	simm.s32 @p0 $0x80;
	s30 =	simm.s32 @p0 $0x100000;
	s25 =	sand.u32 @p0 $0x1FFFFFF0, s25  }
0x1a: {  	s28 =	sshll.u32 @p0 s26, $0x8;
	s26 =	sadd.s32 @p0 $0x3, s26;
	s25 =	sadd.s32 @p0 s6, s25  }
0x1b: {  	[tilespmem:s28], [sflag:s26] =	stream.strided.gather @p0 [hbm4b:s25+s29], $0x100, s30, s29, $0x200038;
	[tilespmem:$0x2200] =	vst v63  }
0x1c: {  	s29 =	sand.u32 $0x1, s20;
	_ =	strace @p0 $0x90000049  }
0x1d: {  	s25 =	sadd.s32 $0x3, s29;
	_ =	strace $0x8000004A  }
0x1e: {  	_ =	swait.ge [sflag:s25], $0x100  }
0x1f: {  	s31 =	sshll.u32 s20, $0x8;
	[sflag:s25] =	ssyncset.done $0x0  }
0x20: {  	s28 =	sand.u32 $0x1, s19;
	s26 =	sand.u32 $0x100, s31;
	[sflag:s25] =	ssyncadd.s32 $0xFFFFFF00  }
0x21: {  	s30 =	sshll.u32 s28, $0xB;
	s25 =	sand.u32 $0x1, s18;
	_ =	strace $0x9000004A  }
0x22: {  	s30 =	sor.u32 $0x200, s30;
	s31 =	sshll.u32 s25, $0xB;
	_ =	strace $0x8000004B  }
0x23: {  	[tilespmem:s30], [sflag:$0x1] =	stream.indirect.gather [hbm4b:s4+s11], $0x10, s26, s11, $0x2000b8;
	[tilespmem:$0x2200] =	vst v63  }
0x24: {  	s29 =	sor.u32 $0x1200, s31;
	s26 =	sor.u32 $0x80, s26  }
0x25: {  	[tilespmem:s29], [sflag:$0x2] =	stream.indirect.gather [hbm4b:s5+s11], $0x10, s26, s11, $0x2000b8;
	[tilespmem:$0x2200] =	vst v63  }
0x26: {  	_ =	swait.ge [sflag:s13], $0x800  }
0x27: {  	p1 =	seq.s32 s17, $0x1;
	[sflag:s13] =	ssyncset.done $0x0  }
0x28: {  	p2 =	seq.s32 @!p1 s24, s23;
	[sflag:s13] =	ssyncadd.s32 $0xFFFFF800  }
0x29: {  	p1 =	por p1, !p2;
	_ =	swait.ge [sflag:s14], $0x800  }
0x2a: {  	s24 =	sadd.s32 @p1 s8, s24;
	[sflag:s14] =	ssyncset.done $0x0  }
0x2b: {  	s24 =	sshll.u32 @p1 s24, $0x8;
	[sflag:s14] =	ssyncadd.s32 $0xFFFFF800  }
0x2c: {  	s24 =	sand.u32 @p1 $0x1FFFFF00, s24;
	s26 =	simm.s32 $0x0;
	_ =	strace $0x9000004B  }
0x2d: {  	s26 =	sadd.s32 @p1 $0x5, s28;
	s28 =	sadd.s32 @p1 s1, s24;
	_ =	strace @p1 $0x8000004C  }
0x2e: {  	[hbm4b:s28+s2] =	stream.linear.scatter @p1 [tilespmem:s30], [sflag:s26], $0x800, $0x200038;
	[tilespmem:$0x2200] =	vst v63  }
0x2f: {  	s19 =	sadd.s32 @p1 $0x1, s19;
	_ =	strace @p1 $0x9000004C  }
0x30: {  	s25 =	sadd.s32 @p1 $0x7, s25;
	s24 =	sadd.s32 @p1 s7, s24;
	_ =	strace @p1 $0x8000004D  }
0x31: {  	[hbm4b:s24+s2] =	stream.linear.scatter @p1 [tilespmem:s29], [sflag:s25], $0x800, $0x200038;
	[tilespmem:$0x2200] =	vst v63  }
0x32: {  	s26 =	simm.s32 @p1 $0x1;
	_ =	strace @p1 $0x9000004D;
	p1 =	seq.s32 s17, $0x100  }
0x33: {  	s24 =	sand.u32 @!p1 $0x1, s22  }
0x34: {  	_ =	strace @!p1 $0x8000004E;
	s24 =	sadd.s32 @!p1 $0x5, s24  }
0x35: {  	_ =	swait.ge @!p1 [sflag:s24], $0x800  }
0x36: {  	s25 =	simm.s32 $0x1;
	[sflag:s24] =	ssyncset.done @!p1 $0x0  }
0x37: {  	s25 =	simm.s32 @!p0 $0x0;
	[sflag:s24] =	ssyncadd.s32 @!p1 $0xFFFFF800  }
0x38: {  	s17 =	sadd.s32 $0xFFFFFFFF, s17;
	s24 =	sand.u32 @!p1 $0x1, s16;
	_ =	strace @!p1 $0x9000004E  }
0x39: {  	p0 =	sne.s32 s17, $0x0;
	s24 =	sadd.s32 @!p1 $0x7, s24;
	_ =	strace @!p1 $0x8000004F  }
.Ltmp0:
0x3a: {  	s18 =	sadd.s32 s18, s26;
	_ =	swait.ge @!p1 [sflag:s24], $0x800;
	(pc) =	sbr.rel @p0 .LBB2_2-.Ltmp0, $4  }
0x3b: {  	s21 =	sadd.s32 s25, s21;
	s25 =	sadd.s32 @!p1 $0x1, s22;
	[sflag:s24] =	ssyncset.done @!p1 $0x0  }
0x3c: {  	s25 =	smov.u32 @p1 s22;
	[sflag:s24] =	ssyncadd.s32 @!p1 $0xFFFFF800;
	s24 =	simm.s32 @!p1 $0x1  }
0x3d: {  	s20 =	sadd.s32 s20, s26;
	s22 =	smov.u32 s25;
	s24 =	simm.s32 @p1 $0x0  }
0x3e: {  	_ =	strace @!p1 $0x9000004F;
	s16 =	sadd.s32 s16, s24;
	s24 =	smov.u32 s23  }
0x3f: {  	s17 =	sand.u32 $0x1, s25  }
0x40: {  	_ =	strace $0x80000050;
	s17 =	sadd.s32 $0x5, s17  }
0x41: {  	s15 =	sadd.s32 $0x1, s15;
	_ =	swait.ge [sflag:s17], $0x800  }
0x42: {  	s16 =	sand.u32 $0x1, s16;
	p0 =	sne.s32 s15, s10;
	[sflag:s17] =	ssyncset.done $0x0  }
.Ltmp1:
0x43: {  	s16 =	sadd.s32 $0x7, s16;
	[sflag:s17] =	ssyncadd.s32 $0xFFFFF800;
	(pc) =	sbr.rel @p0 .LBB2_1-.Ltmp1, $4  }
0x44: {  	_ =	swait.ge [sflag:s16], $0x800  }
0x45: {  	[sflag:s16] =	ssyncset.done $0x0  }
0x46: {  	[sflag:s16] =	ssyncadd.s32 $0xFFFFF800  }
0x47: {  	_ =	strace $0x90000050  }
0x48: {  	_ =	sfence.sel $0x180000  }
0x49: {  	[bflag:$0x0] =	sbarrier.arrive $0xFFFF  }
0x4a: {  	p0 =	sne.s32 s3, $0x0;
	_ =	strace $0x90000047  }
0x4b: {  	s0 =	sadd.s32 @!p0 $0x100000, s0;
	[bflag:$0x2] =	sbarrier.arrive $0xFFFF  }
0x4c: {  	[sflag:s0] =	ssyncadd.tile.s32 @!p0 $0x1;
	_ =	shalt  }
.Lfunc_end2:
_tile_overlayer_lowered:
.L_overlay_start_2:
0x4d: {  	(tag) =	ssettag $0x2  }
0x4e: {  	s0 =	rddreg [dreg:$0x0];
	s2 =	stileid.u32  }
0x4f: {  	s1 =	rddreg [dreg:$0x1];
	p0 =	sne.s32 s2, $0x0  }
0x50: {  	s3 =	rddreg [dreg:$0x2];
	[bflag:$0x3] =	sbarrier.arrive $0xFFFF;
	s2 =	simm.s32 @!p0 $0x1C03  }
0x51: {  	[timem:s3], [sflag:s2] =	dma.local @!p0 [hbm:s0], s1  }
0x52: {  	s0 =	simm.s32 @!p0 $0x3  }
0x53: {  	_ =	swait.ge @!p0 [sflag:s0], s1  }
0x54: {  	s1 =	ssub.s32 @!p0 $0x0, s1;
	[sflag:s0] =	ssyncset.done @!p0 $0x0  }
0x55: {  	[sflag:s0] =	ssyncadd.s32 @!p0 s1  }
0x56: {  	[bflag:$0x3] =	sbarrier.arrive $0xFFFF  }
0x57: {  	_ =	shalt  }

</sc_bundles>
